<compile_context>
chip_gen: v7x
topology: tpu7x:2x2x1
jax: 0.10.2.dev20260603
libtpu: 0.0.44.dev20260713+nightly
codegen_flags: <defaults>
</compile_context>

<pallas_src>
import functools

import jax
import jax.numpy as jnp
from jax import lax
from jax.experimental import pallas as pl
from jax.experimental.pallas import tpu as pltpu
from jax.experimental.pallas import tpu_sc as plsc

N, D, H, G = 100000, 128, 128, 64
B = 20000
NB = N // B
NEG = -1e30

SC_W = 32
C = 3136
CL = N - (SC_W - 1) * C


def _pool_body(x_ref, seg_ref, w1_ref, b1_ref, w2_ref, b2_ref,
               logits_ref, m_ref, d_ref, pooled_ref, t_ref):
    i = pl.program_id(0)

    @pl.when(i == 0)
    def _init():
        m_ref[...] = jnp.full((G, 1), NEG, jnp.float32)
        d_ref[...] = jnp.zeros((G, 1), jnp.float32)
        pooled_ref[...] = jnp.zeros((G, D), jnp.float32)

    x_b = x_ref[...]
    h = jnp.tanh(jnp.dot(x_b, w1_ref[...],
                         preferred_element_type=jnp.float32) + b1_ref[...])
    lg = lax.dot_general(w2_ref[...], h, (((0,), (1,)), ((), ())),
                         preferred_element_type=jnp.float32) + b2_ref[...]
    logits_ref[0] = lg

    seg = seg_ref[0]
    oh = lax.broadcasted_iota(jnp.int32, (G, B), 0) == seg
    ohf = oh.astype(jnp.float32)

    bm = jnp.max(jnp.where(oh, jnp.broadcast_to(lg, (G, B)), NEG),
                 axis=1, keepdims=True)
    m_old = m_ref[...]
    m_new = jnp.maximum(m_old, bm)
    scale = jnp.exp(m_old - m_new)

    m_g = lax.dot_general(m_new, ohf, (((0,), (0,)), ((), ())),
                          preferred_element_type=jnp.float32)
    e = jnp.exp(lg - m_g)
    we = ohf * e

    d_ref[...] = d_ref[...] * scale + jnp.sum(we, axis=1, keepdims=True)
    pooled_ref[...] = (pooled_ref[...] * scale
                       + jnp.dot(we, x_b,
                                 preferred_element_type=jnp.float32))
    m_ref[...] = m_new

    @pl.when(i == NB - 1)
    def _fin():
        d_c = d_ref[...]
        pooled_ref[...] = jnp.where(d_c > 0, pooled_ref[...] / d_c, 0.0)
        t_ref[...] = m_ref[...] + jnp.where(d_c > 0, jnp.log(d_c), 0.0)


_pool_call = pl.pallas_call(
    _pool_body,
    grid=(NB,),
    in_specs=[
        pl.BlockSpec((B, D), lambda i: (i, 0)),
        pl.BlockSpec((1, 1, B), lambda i: (i, 0, 0)),
        pl.BlockSpec((D, H), lambda i: (0, 0)),
        pl.BlockSpec((1, H), lambda i: (0, 0)),
        pl.BlockSpec((H, 1), lambda i: (0, 0)),
        pl.BlockSpec((1, 1), lambda i: (0, 0)),
    ],
    out_specs=[
        pl.BlockSpec((1, 1, B), lambda i: (i, 0, 0)),
        pl.BlockSpec((G, 1), lambda i: (0, 0)),
        pl.BlockSpec((G, 1), lambda i: (0, 0)),
        pl.BlockSpec((G, D), lambda i: (0, 0)),
        pl.BlockSpec((G, 1), lambda i: (0, 0)),
    ],
    out_shape=[
        jax.ShapeDtypeStruct((NB, 1, B), jnp.float32),
        jax.ShapeDtypeStruct((G, 1), jnp.float32),
        jax.ShapeDtypeStruct((G, 1), jnp.float32),
        jax.ShapeDtypeStruct((G, D), jnp.float32),
        jax.ShapeDtypeStruct((G, 1), jnp.float32),
    ],
)


@functools.cache
def _sc_gate_kernel():

    @functools.partial(
        pl.kernel,
        mesh=plsc.VectorSubcoreMesh(core_axis_name="c", subcore_axis_name="s"),
        out_type=jax.ShapeDtypeStruct((N,), jnp.float32),
        scratch_types=[
            pltpu.VMEM((C,), jnp.float32),
            pltpu.VMEM((C,), jnp.int32),
            pltpu.VMEM((G,), jnp.float32),
            pltpu.VMEM((C,), jnp.float32),
        ],
    )
    def _sc_gate(lg_hbm, seg_hbm, t_hbm, out_hbm,
                 lg_v, seg_v, t_v, o_v):
        wid = lax.axis_index("s") * 2 + lax.axis_index("c")
        base = wid * C
        pltpu.sync_copy(t_hbm, t_v)

        tt = [t_v[pl.ds(k * 16, 16)] for k in range(G // 16)]

        def lut(tabs, hi, lo):
            out = tabs[0].at[lo].get(mode="promise_in_bounds")
            for k in range(1, G // 16):
                out = jnp.where(hi == k,
                                tabs[k].at[lo].get(mode="promise_in_bounds"),
                                out)
            return out

        def run(count):
            pltpu.sync_copy(lg_hbm.at[pl.ds(base, count)],
                            lg_v.at[pl.ds(0, count)])
            pltpu.sync_copy(seg_hbm.at[pl.ds(base, count)],
                            seg_v.at[pl.ds(0, count)])

            def body(j, carry):
                sl = pl.ds(j * 16, 16)
                seg = seg_v[sl]
                hi = seg >> 4
                lo = seg & 15
                o_v[sl] = jnp.exp(lg_v[sl] - lut(tt, hi, lo))
                return carry

            lax.fori_loop(0, count // 16, body, 0)
            pltpu.sync_copy(o_v.at[pl.ds(0, count)],
                            out_hbm.at[pl.ds(base, count)])

        @pl.when(wid < SC_W - 1)
        def _full():
            run(C)

        @pl.when(wid == SC_W - 1)
        def _tail():
            run(CL)

    return _sc_gate


def kernel(x, batch, W1, b1, W2, b2):
    seg = batch.astype(jnp.int32)
    logits3, m, d, pooled, t = _pool_call(
        x, seg.reshape(NB, 1, B), W1, b1.reshape(1, H), W2, b2.reshape(1, 1))
    gate = _sc_gate_kernel()(logits3.reshape(N), seg, t.reshape(G))
    return (pooled, gate)

# --- scband reference (transcript-rebuilt; emitter-appended) ---
"""Pipeline reference for scband-graph-attention-pool-9328668966995 (READ-ONLY COPY).

The authoritative reference and input builder live on the scoring server;
editing this copy changes nothing except your own understanding.
"""

import jax, jax.numpy as jnp
import numpy as np

N, D, H, G = 100000, 128, 128, 64

def setup_inputs(seed: int = 0) -> dict:
    key = jax.random.key(seed)
    ks = jax.random.split(key, 6)
    x = jax.random.normal(ks[0], (N, D), dtype=jnp.float32)
    batch = jnp.sort(jax.random.randint(ks[1], (N,), 0, G)).astype(jnp.int64)
    # gate = Linear(D->H), Tanh, Linear(H->1) parameters
    W1 = jax.random.normal(ks[2], (D, H), dtype=jnp.float32) * 0.05
    b1 = jnp.zeros((H,), dtype=jnp.float32)
    W2 = jax.random.normal(ks[3], (H, 1), dtype=jnp.float32) * 0.05
    b2 = jnp.zeros((1,), dtype=jnp.float32)
    return {"x": x, "batch": batch, "W1": W1, "b1": b1, "W2": W2, "b2": b2}

def reference(x, batch, W1, b1, W2, b2):
    # gate_logits = gate(x).squeeze(-1)
    h = jnp.tanh(x @ W1 + b1)
    gate_logits = (h @ W2 + b2).squeeze(-1)  # (N,)
    # segment softmax over graphs (torch_geometric.utils.softmax equivalent)
    seg_max = jax.ops.segment_max(gate_logits, batch, num_segments=G)
    shifted = gate_logits - seg_max[batch]
    ex = jnp.exp(shifted)
    denom = jax.ops.segment_sum(ex, batch, num_segments=G)
    gate = ex / denom[batch]  # (N,)
    # pooled.index_add_(0, batch, x * gate.unsqueeze(-1))
    weighted = x * gate[:, None]
    pooled = jax.ops.segment_sum(weighted, batch, num_segments=G)  # (G, D)
    return (pooled, gate)

if __name__ == "__main__":
    import jax
    _d = setup_inputs()
    print(jax.jit(kernel)(*tuple(_d.values())))

</pallas_src>

<mosaic_0001>
#map = affine_map<(d0, d1) -> (0)>
module attributes {stable_mosaic.version = 14 : i64} {
  func.func @_sc_gate(%arg0: i32, %arg1: i32, %arg2: memref<100000xf32, #tpu.memory_space<hbm>>, %arg3: memref<100000xi32, #tpu.memory_space<hbm>>, %arg4: memref<64xf32, #tpu.memory_space<hbm>>, %arg5: memref<100000xf32, #tpu.memory_space<hbm>>, %arg6: memref<3136xf32, #tpu.memory_space<vmem>>, %arg7: memref<3136xi32, #tpu.memory_space<vmem>>, %arg8: memref<64xf32, #tpu.memory_space<vmem>>, %arg9: memref<3136xf32, #tpu.memory_space<vmem>>) attributes {dimension_semantics = [#tpu.dimension_semantics<core_parallel>, #tpu.dimension_semantics<subcore_parallel>], iteration_bounds = array<i64: 2, 16>, scalar_prefetch = 0 : i64, scratch_operands = 4 : i64, tpu.core_type = #tpu.core_type<sc_vector_subcore>, window_params = [{transform_indices = #map}, {transform_indices = #map}, {transform_indices = #map}, {transform_indices = #map}]} {
    %mul3A = arith.constant 2 : i32
    %mul3A_0 = arith.muli %arg1, %mul3A : i32
    %add3A = arith.addi %mul3A_0, %arg0 : i32
    %mul3A_1 = arith.constant 3136 : i32
    %mul3A_2 = arith.muli %add3A, %mul3A_1 : i32
    "tpu.region"() ({
      %run_scoped3A = tpu.sem_alloc : memref<!tpu.dma_semaphore, #tpu.memory_space<semaphore_mem>>
      tpu.enqueue_dma source(%arg4 : memref<64xf32, #tpu.memory_space<hbm>>) target(%arg8 : memref<64xf32, #tpu.memory_space<vmem>>) target_semaphore(%run_scoped3A : memref<!tpu.dma_semaphore, #tpu.memory_space<semaphore_mem>>)
      tpu.wait_dma2 semaphore(%run_scoped3A : memref<!tpu.dma_semaphore, #tpu.memory_space<semaphore_mem>>) src(%arg4 : memref<64xf32, #tpu.memory_space<hbm>>) dst(%arg8 : memref<64xf32, #tpu.memory_space<vmem>>)
      tpu.yield
    }) : () -> ()
    %get3A = arith.constant 0 : index
    %get3A_3 = tpu.vector_load %arg8[%get3A] {strides = array<i32>} : memref<64xf32, #tpu.memory_space<vmem>>, vector<16xf32>,
    %get3A_4 = vector.shape_cast %get3A_3 : vector<16xf32> to vector<16xf32>
    %get3A_5 = arith.constant 16 : index
    %get3A_6 = tpu.vector_load %arg8[%get3A_5] {strides = array<i32>} : memref<64xf32, #tpu.memory_space<vmem>>, vector<16xf32>,
    %get3A_7 = vector.shape_cast %get3A_6 : vector<16xf32> to vector<16xf32>
    %get3A_8 = arith.constant 32 : index
    %get3A_9 = tpu.vector_load %arg8[%get3A_8] {strides = array<i32>} : memref<64xf32, #tpu.memory_space<vmem>>, vector<16xf32>,
    %get3A_10 = vector.shape_cast %get3A_9 : vector<16xf32> to vector<16xf32>
    %get3A_11 = arith.constant 48 : index
    %get3A_12 = tpu.vector_load %arg8[%get3A_11] {strides = array<i32>} : memref<64xf32, #tpu.memory_space<vmem>>, vector<16xf32>,
    %get3A_13 = vector.shape_cast %get3A_12 : vector<16xf32> to vector<16xf32>
    %lt3A = arith.constant 31 : i32
    %lt3A_14 = arith.cmpi slt, %add3A, %lt3A : i32
    %convert_element_type3A = arith.extui %lt3A_14 : i1 to i32
    %cond3A = arith.constant 0 : i32
    %cond3A_15 = arith.cmpi ne, %convert_element_type3A, %cond3A : i32
    scf.if %cond3A_15 {
      "tpu.region"() ({
        %run_scoped3A = tpu.sem_alloc : memref<!tpu.dma_semaphore, #tpu.memory_space<semaphore_mem>>
        %dma_start3A = arith.constant 0 : i32
        %dma_start3A_25 = tpu.memref_slice %arg6[%dma_start3A] : memref<3136xf32, #tpu.memory_space<vmem>> -> memref<3136xf32, #tpu.memory_space<vmem>>
        %dma_start3A_26 = tpu.memref_slice %arg2[%mul3A_2] : memref<100000xf32, #tpu.memory_space<hbm>> -> memref<3136xf32, #tpu.memory_space<hbm>>
        %dma_start3A_27 = arith.constant 0 : i32
        %dma_start3A_28 = tpu.memref_slice %arg6[%dma_start3A_27] : memref<3136xf32, #tpu.memory_space<vmem>> -> memref<3136xf32, #tpu.memory_space<vmem>>
        %dma_start3A_29 = tpu.memref_slice %arg2[%mul3A_2] : memref<100000xf32, #tpu.memory_space<hbm>> -> memref<3136xf32, #tpu.memory_space<hbm>>
        tpu.enqueue_dma source(%dma_start3A_29 : memref<3136xf32, #tpu.memory_space<hbm>>) target(%dma_start3A_28 : memref<3136xf32, #tpu.memory_space<vmem>>) target_semaphore(%run_scoped3A : memref<!tpu.dma_semaphore, #tpu.memory_space<semaphore_mem>>)
        %dma_wait3A = arith.constant 0 : i32
        %dma_wait3A_30 = tpu.memref_slice %arg6[%dma_wait3A] : memref<3136xf32, #tpu.memory_space<vmem>> -> memref<3136xf32, #tpu.memory_space<vmem>>
        %dma_wait3A_31 = tpu.memref_slice %arg2[%mul3A_2] : memref<100000xf32, #tpu.memory_space<hbm>> -> memref<3136xf32, #tpu.memory_space<hbm>>
        %dma_wait3A_32 = arith.constant 0 : i32
        %dma_wait3A_33 = tpu.memref_slice %arg6[%dma_wait3A_32] : memref<3136xf32, #tpu.memory_space<vmem>> -> memref<3136xf32, #tpu.memory_space<vmem>>
        %dma_wait3A_34 = tpu.memref_slice %arg2[%mul3A_2] : memref<100000xf32, #tpu.memory_space<hbm>> -> memref<3136xf32, #tpu.memory_space<hbm>>
        tpu.wait_dma2 semaphore(%run_scoped3A : memref<!tpu.dma_semaphore, #tpu.memory_space<semaphore_mem>>) src(%dma_wait3A_34 : memref<3136xf32, #tpu.memory_space<hbm>>) dst(%dma_wait3A_33 : memref<3136xf32, #tpu.memory_space<vmem>>)
        tpu.yield
      }) : () -> ()
      "tpu.region"() ({
        %run_scoped3A = tpu.sem_alloc : memref<!tpu.dma_semaphore, #tpu.memory_space<semaphore_mem>>
        %dma_start3A = arith.constant 0 : i32
        %dma_start3A_25 = tpu.memref_slice %arg7[%dma_start3A] : memref<3136xi32, #tpu.memory_space<vmem>> -> memref<3136xi32, #tpu.memory_space<vmem>>
        %dma_start3A_26 = tpu.memref_slice %arg3[%mul3A_2] : memref<100000xi32, #tpu.memory_space<hbm>> -> memref<3136xi32, #tpu.memory_space<hbm>>
        %dma_start3A_27 = arith.constant 0 : i32
        %dma_start3A_28 = tpu.memref_slice %arg7[%dma_start3A_27] : memref<3136xi32, #tpu.memory_space<vmem>> -> memref<3136xi32, #tpu.memory_space<vmem>>
        %dma_start3A_29 = tpu.memref_slice %arg3[%mul3A_2] : memref<100000xi32, #tpu.memory_space<hbm>> -> memref<3136xi32, #tpu.memory_space<hbm>>
        tpu.enqueue_dma source(%dma_start3A_29 : memref<3136xi32, #tpu.memory_space<hbm>>) target(%dma_start3A_28 : memref<3136xi32, #tpu.memory_space<vmem>>) target_semaphore(%run_scoped3A : memref<!tpu.dma_semaphore, #tpu.memory_space<semaphore_mem>>)
        %dma_wait3A = arith.constant 0 : i32
        %dma_wait3A_30 = tpu.memref_slice %arg7[%dma_wait3A] : memref<3136xi32, #tpu.memory_space<vmem>> -> memref<3136xi32, #tpu.memory_space<vmem>>
        %dma_wait3A_31 = tpu.memref_slice %arg3[%mul3A_2] : memref<100000xi32, #tpu.memory_space<hbm>> -> memref<3136xi32, #tpu.memory_space<hbm>>
        %dma_wait3A_32 = arith.constant 0 : i32
        %dma_wait3A_33 = tpu.memref_slice %arg7[%dma_wait3A_32] : memref<3136xi32, #tpu.memory_space<vmem>> -> memref<3136xi32, #tpu.memory_space<vmem>>
        %dma_wait3A_34 = tpu.memref_slice %arg3[%mul3A_2] : memref<100000xi32, #tpu.memory_space<hbm>> -> memref<3136xi32, #tpu.memory_space<hbm>>
        tpu.wait_dma2 semaphore(%run_scoped3A : memref<!tpu.dma_semaphore, #tpu.memory_space<semaphore_mem>>) src(%dma_wait3A_34 : memref<3136xi32, #tpu.memory_space<hbm>>) dst(%dma_wait3A_33 : memref<3136xi32, #tpu.memory_space<vmem>>)
        tpu.yield
      }) : () -> ()
      %scan3A = arith.constant 0 : i32
      %scan3A_20 = arith.constant 0 : i32
      %scan3A_21 = arith.constant 196 : i32
      %scan3A_22 = arith.addi %scan3A_20, %scan3A_21 : i32
      %scan3A_23 = arith.constant 1 : i32
      scf.for %scan3A_25 = %scan3A_20 to %scan3A_22 step %scan3A_23  : i32 {
        %mul3A_26 = arith.constant 16 : i32
        %mul3A_27 = arith.muli %scan3A_25, %mul3A_26 : i32
        %get3A_28 = arith.index_cast %mul3A_27 : i32 to index
        %get3A_29 = tpu.vector_load %arg7[%get3A_28] {strides = array<i32>} : memref<3136xi32, #tpu.memory_space<vmem>>, vector<16xi32>,
        %get3A_30 = vector.shape_cast %get3A_29 : vector<16xi32> to vector<16xi32>
        %shift_right_arithmetic3A = arith.constant 4 : i32
        %shift_right_arithmetic3A_31 = vector.broadcast %shift_right_arithmetic3A : i32 to vector<16xi32>
        %shift_right_arithmetic3A_32 = arith.shrsi %get3A_30, %shift_right_arithmetic3A_31 : vector<16xi32>
        %and3A = arith.constant 15 : i32
        %and3A_33 = vector.broadcast %and3A : i32 to vector<16xi32>
        %and3A_34 = arith.andi %get3A_30, %and3A_33 : vector<16xi32>
        %get3A_35 = arith.index_cast %mul3A_27 : i32 to index
        %get3A_36 = tpu.vector_load %arg6[%get3A_35] {strides = array<i32>} : memref<3136xf32, #tpu.memory_space<vmem>>, vector<16xf32>,
        %get3A_37 = vector.shape_cast %get3A_36 : vector<16xf32> to vector<16xf32>
        %lt3A_38 = arith.constant 0 : i32
        %lt3A_39 = vector.broadcast %lt3A_38 : i32 to vector<16xi32>
        %lt3A_40 = arith.cmpi slt, %and3A_34, %lt3A_39 : vector<16xi32>
        %add3A_41 = arith.constant 16 : i32
        %add3A_42 = vector.broadcast %add3A_41 : i32 to vector<16xi32>
        %add3A_43 = arith.addi %and3A_34, %add3A_42 : vector<16xi32>
        %select_n3A = arith.select %lt3A_40, %add3A_43, %and3A_34 : vector<16xi1>, vector<16xi32>
        %broadcast_in_dim3A = vector.shape_cast %select_n3A : vector<16xi32> to vector<16x1xi32>
        %gather3A = vector.shape_cast %broadcast_in_dim3A : vector<16x1xi32> to vector<16xi32>
        %gather3A_44 = tpu.dynamic_gather %get3A_4[%gather3A] in [0] : vector<16xf32>, vector<16xi32> -> vector<16xf32>
        %eq3A_45 = arith.constant 1 : i32
        %eq3A_46 = vector.broadcast %eq3A_45 : i32 to vector<16xi32>
        %eq3A_47 = arith.cmpi eq, %shift_right_arithmetic3A_32, %eq3A_46 : vector<16xi32>
        %lt3A_48 = arith.constant 0 : i32
        %lt3A_49 = vector.broadcast %lt3A_48 : i32 to vector<16xi32>
        %lt3A_50 = arith.cmpi slt, %and3A_34, %lt3A_49 : vector<16xi32>
        %add3A_51 = arith.constant 16 : i32
        %add3A_52 = vector.broadcast %add3A_51 : i32 to vector<16xi32>
        %add3A_53 = arith.addi %and3A_34, %add3A_52 : vector<16xi32>
        %select_n3A_54 = arith.select %lt3A_50, %add3A_53, %and3A_34 : vector<16xi1>, vector<16xi32>
        %broadcast_in_dim3A_55 = vector.shape_cast %select_n3A_54 : vector<16xi32> to vector<16x1xi32>
        %gather3A_56 = vector.shape_cast %broadcast_in_dim3A_55 : vector<16x1xi32> to vector<16xi32>
        %gather3A_57 = tpu.dynamic_gather %get3A_7[%gather3A_56] in [0] : vector<16xf32>, vector<16xi32> -> vector<16xf32>
        %select_n3A_58 = arith.select %eq3A_47, %gather3A_57, %gather3A_44 : vector<16xi1>, vector<16xf32>
        %eq3A_59 = arith.constant 2 : i32
        %eq3A_60 = vector.broadcast %eq3A_59 : i32 to vector<16xi32>
        %eq3A_61 = arith.cmpi eq, %shift_right_arithmetic3A_32, %eq3A_60 : vector<16xi32>
        %lt3A_62 = arith.constant 0 : i32
        %lt3A_63 = vector.broadcast %lt3A_62 : i32 to vector<16xi32>
        %lt3A_64 = arith.cmpi slt, %and3A_34, %lt3A_63 : vector<16xi32>
        %add3A_65 = arith.constant 16 : i32
        %add3A_66 = vector.broadcast %add3A_65 : i32 to vector<16xi32>
        %add3A_67 = arith.addi %and3A_34, %add3A_66 : vector<16xi32>
        %select_n3A_68 = arith.select %lt3A_64, %add3A_67, %and3A_34 : vector<16xi1>, vector<16xi32>
        %broadcast_in_dim3A_69 = vector.shape_cast %select_n3A_68 : vector<16xi32> to vector<16x1xi32>
        %gather3A_70 = vector.shape_cast %broadcast_in_dim3A_69 : vector<16x1xi32> to vector<16xi32>
        %gather3A_71 = tpu.dynamic_gather %get3A_10[%gather3A_70] in [0] : vector<16xf32>, vector<16xi32> -> vector<16xf32>
        %select_n3A_72 = arith.select %eq3A_61, %gather3A_71, %select_n3A_58 : vector<16xi1>, vector<16xf32>
        %eq3A_73 = arith.constant 3 : i32
        %eq3A_74 = vector.broadcast %eq3A_73 : i32 to vector<16xi32>
        %eq3A_75 = arith.cmpi eq, %shift_right_arithmetic3A_32, %eq3A_74 : vector<16xi32>
        %lt3A_76 = arith.constant 0 : i32
        %lt3A_77 = vector.broadcast %lt3A_76 : i32 to vector<16xi32>
        %lt3A_78 = arith.cmpi slt, %and3A_34, %lt3A_77 : vector<16xi32>
        %add3A_79 = arith.constant 16 : i32
        %add3A_80 = vector.broadcast %add3A_79 : i32 to vector<16xi32>
        %add3A_81 = arith.addi %and3A_34, %add3A_80 : vector<16xi32>
        %select_n3A_82 = arith.select %lt3A_78, %add3A_81, %and3A_34 : vector<16xi1>, vector<16xi32>
        %broadcast_in_dim3A_83 = vector.shape_cast %select_n3A_82 : vector<16xi32> to vector<16x1xi32>
        %gather3A_84 = vector.shape_cast %broadcast_in_dim3A_83 : vector<16x1xi32> to vector<16xi32>
        %gather3A_85 = tpu.dynamic_gather %get3A_13[%gather3A_84] in [0] : vector<16xf32>, vector<16xi32> -> vector<16xf32>
        %select_n3A_86 = arith.select %eq3A_75, %gather3A_85, %select_n3A_72 : vector<16xi1>, vector<16xf32>
        %sub3A = arith.subf %get3A_37, %select_n3A_86 : vector<16xf32>
        %exp3A = math.exp %sub3A : vector<16xf32>
        %swap3A = arith.index_cast %mul3A_27 : i32 to index
        %swap3A_87 = tpu.vector_load %arg9[%swap3A] {strides = array<i32>} : memref<3136xf32, #tpu.memory_space<vmem>>, vector<16xf32>,
        %swap3A_88 = vector.shape_cast %swap3A_87 : vector<16xf32> to vector<16xf32>
        %swap3A_89 = vector.shape_cast %exp3A : vector<16xf32> to vector<16xf32>
        tpu.vector_store %arg9[%swap3A], %swap3A_89 {strides = array<i32>} : memref<3136xf32, #tpu.memory_space<vmem>>, vector<16xf32>,
      }
      %scan3A_24 = arith.constant 196 : i32
      "tpu.region"() ({
        %run_scoped3A = tpu.sem_alloc : memref<!tpu.dma_semaphore, #tpu.memory_space<semaphore_mem>>
        %dma_start3A = arith.constant 0 : i32
        %dma_start3A_25 = tpu.memref_slice %arg9[%dma_start3A] : memref<3136xf32, #tpu.memory_space<vmem>> -> memref<3136xf32, #tpu.memory_space<vmem>>
        %dma_start3A_26 = tpu.memref_slice %arg5[%mul3A_2] : memref<100000xf32, #tpu.memory_space<hbm>> -> memref<3136xf32, #tpu.memory_space<hbm>>
        %dma_start3A_27 = tpu.memref_slice %arg5[%mul3A_2] : memref<100000xf32, #tpu.memory_space<hbm>> -> memref<3136xf32, #tpu.memory_space<hbm>>
        %dma_start3A_28 = arith.constant 0 : i32
        %dma_start3A_29 = tpu.memref_slice %arg9[%dma_start3A_28] : memref<3136xf32, #tpu.memory_space<vmem>> -> memref<3136xf32, #tpu.memory_space<vmem>>
        tpu.enqueue_dma source(%dma_start3A_29 : memref<3136xf32, #tpu.memory_space<vmem>>) target(%dma_start3A_27 : memref<3136xf32, #tpu.memory_space<hbm>>) target_semaphore(%run_scoped3A : memref<!tpu.dma_semaphore, #tpu.memory_space<semaphore_mem>>)
        %dma_wait3A = arith.constant 0 : i32
        %dma_wait3A_30 = tpu.memref_slice %arg9[%dma_wait3A] : memref<3136xf32, #tpu.memory_space<vmem>> -> memref<3136xf32, #tpu.memory_space<vmem>>
        %dma_wait3A_31 = tpu.memref_slice %arg5[%mul3A_2] : memref<100000xf32, #tpu.memory_space<hbm>> -> memref<3136xf32, #tpu.memory_space<hbm>>
        %dma_wait3A_32 = tpu.memref_slice %arg5[%mul3A_2] : memref<100000xf32, #tpu.memory_space<hbm>> -> memref<3136xf32, #tpu.memory_space<hbm>>
        %dma_wait3A_33 = arith.constant 0 : i32
        %dma_wait3A_34 = tpu.memref_slice %arg9[%dma_wait3A_33] : memref<3136xf32, #tpu.memory_space<vmem>> -> memref<3136xf32, #tpu.memory_space<vmem>>
        tpu.wait_dma2 semaphore(%run_scoped3A : memref<!tpu.dma_semaphore, #tpu.memory_space<semaphore_mem>>) src(%dma_wait3A_34 : memref<3136xf32, #tpu.memory_space<vmem>>) dst(%dma_wait3A_32 : memref<3136xf32, #tpu.memory_space<hbm>>)
        tpu.yield
      }) : () -> ()
    } else {
    }
    %eq3A = arith.constant 31 : i32
    %eq3A_16 = arith.cmpi eq, %add3A, %eq3A : i32
    %convert_element_type3A_17 = arith.extui %eq3A_16 : i1 to i32
    %cond3A_18 = arith.constant 0 : i32
    %cond3A_19 = arith.cmpi ne, %convert_element_type3A_17, %cond3A_18 : i32
    scf.if %cond3A_19 {
      "tpu.region"() ({
        %run_scoped3A = tpu.sem_alloc : memref<!tpu.dma_semaphore, #tpu.memory_space<semaphore_mem>>
        %dma_start3A = arith.constant 0 : i32
        %dma_start3A_25 = tpu.memref_slice %arg6[%dma_start3A] : memref<3136xf32, #tpu.memory_space<vmem>> -> memref<2784xf32, #tpu.memory_space<vmem>>
        %dma_start3A_26 = tpu.memref_slice %arg2[%mul3A_2] : memref<100000xf32, #tpu.memory_space<hbm>> -> memref<2784xf32, #tpu.memory_space<hbm>>
        %dma_start3A_27 = arith.constant 0 : i32
        %dma_start3A_28 = tpu.memref_slice %arg6[%dma_start3A_27] : memref<3136xf32, #tpu.memory_space<vmem>> -> memref<2784xf32, #tpu.memory_space<vmem>>
        %dma_start3A_29 = tpu.memref_slice %arg2[%mul3A_2] : memref<100000xf32, #tpu.memory_space<hbm>> -> memref<2784xf32, #tpu.memory_space<hbm>>
        tpu.enqueue_dma source(%dma_start3A_29 : memref<2784xf32, #tpu.memory_space<hbm>>) target(%dma_start3A_28 : memref<2784xf32, #tpu.memory_space<vmem>>) target_semaphore(%run_scoped3A : memref<!tpu.dma_semaphore, #tpu.memory_space<semaphore_mem>>)
        %dma_wait3A = arith.constant 0 : i32
        %dma_wait3A_30 = tpu.memref_slice %arg6[%dma_wait3A] : memref<3136xf32, #tpu.memory_space<vmem>> -> memref<2784xf32, #tpu.memory_space<vmem>>
        %dma_wait3A_31 = tpu.memref_slice %arg2[%mul3A_2] : memref<100000xf32, #tpu.memory_space<hbm>> -> memref<2784xf32, #tpu.memory_space<hbm>>
        %dma_wait3A_32 = arith.constant 0 : i32
        %dma_wait3A_33 = tpu.memref_slice %arg6[%dma_wait3A_32] : memref<3136xf32, #tpu.memory_space<vmem>> -> memref<2784xf32, #tpu.memory_space<vmem>>
        %dma_wait3A_34 = tpu.memref_slice %arg2[%mul3A_2] : memref<100000xf32, #tpu.memory_space<hbm>> -> memref<2784xf32, #tpu.memory_space<hbm>>
        tpu.wait_dma2 semaphore(%run_scoped3A : memref<!tpu.dma_semaphore, #tpu.memory_space<semaphore_mem>>) src(%dma_wait3A_34 : memref<2784xf32, #tpu.memory_space<hbm>>) dst(%dma_wait3A_33 : memref<2784xf32, #tpu.memory_space<vmem>>)
        tpu.yield
      }) : () -> ()
      "tpu.region"() ({
        %run_scoped3A = tpu.sem_alloc : memref<!tpu.dma_semaphore, #tpu.memory_space<semaphore_mem>>
        %dma_start3A = arith.constant 0 : i32
        %dma_start3A_25 = tpu.memref_slice %arg7[%dma_start3A] : memref<3136xi32, #tpu.memory_space<vmem>> -> memref<2784xi32, #tpu.memory_space<vmem>>
        %dma_start3A_26 = tpu.memref_slice %arg3[%mul3A_2] : memref<100000xi32, #tpu.memory_space<hbm>> -> memref<2784xi32, #tpu.memory_space<hbm>>
        %dma_start3A_27 = arith.constant 0 : i32
        %dma_start3A_28 = tpu.memref_slice %arg7[%dma_start3A_27] : memref<3136xi32, #tpu.memory_space<vmem>> -> memref<2784xi32, #tpu.memory_space<vmem>>
        %dma_start3A_29 = tpu.memref_slice %arg3[%mul3A_2] : memref<100000xi32, #tpu.memory_space<hbm>> -> memref<2784xi32, #tpu.memory_space<hbm>>
        tpu.enqueue_dma source(%dma_start3A_29 : memref<2784xi32, #tpu.memory_space<hbm>>) target(%dma_start3A_28 : memref<2784xi32, #tpu.memory_space<vmem>>) target_semaphore(%run_scoped3A : memref<!tpu.dma_semaphore, #tpu.memory_space<semaphore_mem>>)
        %dma_wait3A = arith.constant 0 : i32
        %dma_wait3A_30 = tpu.memref_slice %arg7[%dma_wait3A] : memref<3136xi32, #tpu.memory_space<vmem>> -> memref<2784xi32, #tpu.memory_space<vmem>>
        %dma_wait3A_31 = tpu.memref_slice %arg3[%mul3A_2] : memref<100000xi32, #tpu.memory_space<hbm>> -> memref<2784xi32, #tpu.memory_space<hbm>>
        %dma_wait3A_32 = arith.constant 0 : i32
        %dma_wait3A_33 = tpu.memref_slice %arg7[%dma_wait3A_32] : memref<3136xi32, #tpu.memory_space<vmem>> -> memref<2784xi32, #tpu.memory_space<vmem>>
        %dma_wait3A_34 = tpu.memref_slice %arg3[%mul3A_2] : memref<100000xi32, #tpu.memory_space<hbm>> -> memref<2784xi32, #tpu.memory_space<hbm>>
        tpu.wait_dma2 semaphore(%run_scoped3A : memref<!tpu.dma_semaphore, #tpu.memory_space<semaphore_mem>>) src(%dma_wait3A_34 : memref<2784xi32, #tpu.memory_space<hbm>>) dst(%dma_wait3A_33 : memref<2784xi32, #tpu.memory_space<vmem>>)
        tpu.yield
      }) : () -> ()
      %scan3A = arith.constant 0 : i32
      %scan3A_20 = arith.constant 0 : i32
      %scan3A_21 = arith.constant 174 : i32
      %scan3A_22 = arith.addi %scan3A_20, %scan3A_21 : i32
      %scan3A_23 = arith.constant 1 : i32
      scf.for %scan3A_25 = %scan3A_20 to %scan3A_22 step %scan3A_23  : i32 {
        %mul3A_26 = arith.constant 16 : i32
        %mul3A_27 = arith.muli %scan3A_25, %mul3A_26 : i32
        %get3A_28 = arith.index_cast %mul3A_27 : i32 to index
        %get3A_29 = tpu.vector_load %arg7[%get3A_28] {strides = array<i32>} : memref<3136xi32, #tpu.memory_space<vmem>>, vector<16xi32>,
        %get3A_30 = vector.shape_cast %get3A_29 : vector<16xi32> to vector<16xi32>
        %shift_right_arithmetic3A = arith.constant 4 : i32
        %shift_right_arithmetic3A_31 = vector.broadcast %shift_right_arithmetic3A : i32 to vector<16xi32>
        %shift_right_arithmetic3A_32 = arith.shrsi %get3A_30, %shift_right_arithmetic3A_31 : vector<16xi32>
        %and3A = arith.constant 15 : i32
        %and3A_33 = vector.broadcast %and3A : i32 to vector<16xi32>
        %and3A_34 = arith.andi %get3A_30, %and3A_33 : vector<16xi32>
        %get3A_35 = arith.index_cast %mul3A_27 : i32 to index
        %get3A_36 = tpu.vector_load %arg6[%get3A_35] {strides = array<i32>} : memref<3136xf32, #tpu.memory_space<vmem>>, vector<16xf32>,
        %get3A_37 = vector.shape_cast %get3A_36 : vector<16xf32> to vector<16xf32>
        %lt3A_38 = arith.constant 0 : i32
        %lt3A_39 = vector.broadcast %lt3A_38 : i32 to vector<16xi32>
        %lt3A_40 = arith.cmpi slt, %and3A_34, %lt3A_39 : vector<16xi32>
        %add3A_41 = arith.constant 16 : i32
        %add3A_42 = vector.broadcast %add3A_41 : i32 to vector<16xi32>
        %add3A_43 = arith.addi %and3A_34, %add3A_42 : vector<16xi32>
        %select_n3A = arith.select %lt3A_40, %add3A_43, %and3A_34 : vector<16xi1>, vector<16xi32>
        %broadcast_in_dim3A = vector.shape_cast %select_n3A : vector<16xi32> to vector<16x1xi32>
        %gather3A = vector.shape_cast %broadcast_in_dim3A : vector<16x1xi32> to vector<16xi32>
        %gather3A_44 = tpu.dynamic_gather %get3A_4[%gather3A] in [0] : vector<16xf32>, vector<16xi32> -> vector<16xf32>
        %eq3A_45 = arith.constant 1 : i32
        %eq3A_46 = vector.broadcast %eq3A_45 : i32 to vector<16xi32>
        %eq3A_47 = arith.cmpi eq, %shift_right_arithmetic3A_32, %eq3A_46 : vector<16xi32>
        %lt3A_48 = arith.constant 0 : i32
        %lt3A_49 = vector.broadcast %lt3A_48 : i32 to vector<16xi32>
        %lt3A_50 = arith.cmpi slt, %and3A_34, %lt3A_49 : vector<16xi32>
        %add3A_51 = arith.constant 16 : i32
        %add3A_52 = vector.broadcast %add3A_51 : i32 to vector<16xi32>
        %add3A_53 = arith.addi %and3A_34, %add3A_52 : vector<16xi32>
        %select_n3A_54 = arith.select %lt3A_50, %add3A_53, %and3A_34 : vector<16xi1>, vector<16xi32>
        %broadcast_in_dim3A_55 = vector.shape_cast %select_n3A_54 : vector<16xi32> to vector<16x1xi32>
        %gather3A_56 = vector.shape_cast %broadcast_in_dim3A_55 : vector<16x1xi32> to vector<16xi32>
        %gather3A_57 = tpu.dynamic_gather %get3A_7[%gather3A_56] in [0] : vector<16xf32>, vector<16xi32> -> vector<16xf32>
        %select_n3A_58 = arith.select %eq3A_47, %gather3A_57, %gather3A_44 : vector<16xi1>, vector<16xf32>
        %eq3A_59 = arith.constant 2 : i32
        %eq3A_60 = vector.broadcast %eq3A_59 : i32 to vector<16xi32>
        %eq3A_61 = arith.cmpi eq, %shift_right_arithmetic3A_32, %eq3A_60 : vector<16xi32>
        %lt3A_62 = arith.constant 0 : i32
        %lt3A_63 = vector.broadcast %lt3A_62 : i32 to vector<16xi32>
        %lt3A_64 = arith.cmpi slt, %and3A_34, %lt3A_63 : vector<16xi32>
        %add3A_65 = arith.constant 16 : i32
        %add3A_66 = vector.broadcast %add3A_65 : i32 to vector<16xi32>
        %add3A_67 = arith.addi %and3A_34, %add3A_66 : vector<16xi32>
        %select_n3A_68 = arith.select %lt3A_64, %add3A_67, %and3A_34 : vector<16xi1>, vector<16xi32>
        %broadcast_in_dim3A_69 = vector.shape_cast %select_n3A_68 : vector<16xi32> to vector<16x1xi32>
        %gather3A_70 = vector.shape_cast %broadcast_in_dim3A_69 : vector<16x1xi32> to vector<16xi32>
        %gather3A_71 = tpu.dynamic_gather %get3A_10[%gather3A_70] in [0] : vector<16xf32>, vector<16xi32> -> vector<16xf32>
        %select_n3A_72 = arith.select %eq3A_61, %gather3A_71, %select_n3A_58 : vector<16xi1>, vector<16xf32>
        %eq3A_73 = arith.constant 3 : i32
        %eq3A_74 = vector.broadcast %eq3A_73 : i32 to vector<16xi32>
        %eq3A_75 = arith.cmpi eq, %shift_right_arithmetic3A_32, %eq3A_74 : vector<16xi32>
        %lt3A_76 = arith.constant 0 : i32
        %lt3A_77 = vector.broadcast %lt3A_76 : i32 to vector<16xi32>
        %lt3A_78 = arith.cmpi slt, %and3A_34, %lt3A_77 : vector<16xi32>
        %add3A_79 = arith.constant 16 : i32
        %add3A_80 = vector.broadcast %add3A_79 : i32 to vector<16xi32>
        %add3A_81 = arith.addi %and3A_34, %add3A_80 : vector<16xi32>
        %select_n3A_82 = arith.select %lt3A_78, %add3A_81, %and3A_34 : vector<16xi1>, vector<16xi32>
        %broadcast_in_dim3A_83 = vector.shape_cast %select_n3A_82 : vector<16xi32> to vector<16x1xi32>
        %gather3A_84 = vector.shape_cast %broadcast_in_dim3A_83 : vector<16x1xi32> to vector<16xi32>
        %gather3A_85 = tpu.dynamic_gather %get3A_13[%gather3A_84] in [0] : vector<16xf32>, vector<16xi32> -> vector<16xf32>
        %select_n3A_86 = arith.select %eq3A_75, %gather3A_85, %select_n3A_72 : vector<16xi1>, vector<16xf32>
        %sub3A = arith.subf %get3A_37, %select_n3A_86 : vector<16xf32>
        %exp3A = math.exp %sub3A : vector<16xf32>
        %swap3A = arith.index_cast %mul3A_27 : i32 to index
        %swap3A_87 = tpu.vector_load %arg9[%swap3A] {strides = array<i32>} : memref<3136xf32, #tpu.memory_space<vmem>>, vector<16xf32>,
        %swap3A_88 = vector.shape_cast %swap3A_87 : vector<16xf32> to vector<16xf32>
        %swap3A_89 = vector.shape_cast %exp3A : vector<16xf32> to vector<16xf32>
        tpu.vector_store %arg9[%swap3A], %swap3A_89 {strides = array<i32>} : memref<3136xf32, #tpu.memory_space<vmem>>, vector<16xf32>,
      }
      %scan3A_24 = arith.constant 174 : i32
      "tpu.region"() ({
        %run_scoped3A = tpu.sem_alloc : memref<!tpu.dma_semaphore, #tpu.memory_space<semaphore_mem>>
        %dma_start3A = arith.constant 0 : i32
        %dma_start3A_25 = tpu.memref_slice %arg9[%dma_start3A] : memref<3136xf32, #tpu.memory_space<vmem>> -> memref<2784xf32, #tpu.memory_space<vmem>>
        %dma_start3A_26 = tpu.memref_slice %arg5[%mul3A_2] : memref<100000xf32, #tpu.memory_space<hbm>> -> memref<2784xf32, #tpu.memory_space<hbm>>
        %dma_start3A_27 = tpu.memref_slice %arg5[%mul3A_2] : memref<100000xf32, #tpu.memory_space<hbm>> -> memref<2784xf32, #tpu.memory_space<hbm>>
        %dma_start3A_28 = arith.constant 0 : i32
        %dma_start3A_29 = tpu.memref_slice %arg9[%dma_start3A_28] : memref<3136xf32, #tpu.memory_space<vmem>> -> memref<2784xf32, #tpu.memory_space<vmem>>
        tpu.enqueue_dma source(%dma_start3A_29 : memref<2784xf32, #tpu.memory_space<vmem>>) target(%dma_start3A_27 : memref<2784xf32, #tpu.memory_space<hbm>>) target_semaphore(%run_scoped3A : memref<!tpu.dma_semaphore, #tpu.memory_space<semaphore_mem>>)
        %dma_wait3A = arith.constant 0 : i32
        %dma_wait3A_30 = tpu.memref_slice %arg9[%dma_wait3A] : memref<3136xf32, #tpu.memory_space<vmem>> -> memref<2784xf32, #tpu.memory_space<vmem>>
        %dma_wait3A_31 = tpu.memref_slice %arg5[%mul3A_2] : memref<100000xf32, #tpu.memory_space<hbm>> -> memref<2784xf32, #tpu.memory_space<hbm>>
        %dma_wait3A_32 = tpu.memref_slice %arg5[%mul3A_2] : memref<100000xf32, #tpu.memory_space<hbm>> -> memref<2784xf32, #tpu.memory_space<hbm>>
        %dma_wait3A_33 = arith.constant 0 : i32
        %dma_wait3A_34 = tpu.memref_slice %arg9[%dma_wait3A_33] : memref<3136xf32, #tpu.memory_space<vmem>> -> memref<2784xf32, #tpu.memory_space<vmem>>
        tpu.wait_dma2 semaphore(%run_scoped3A : memref<!tpu.dma_semaphore, #tpu.memory_space<semaphore_mem>>) src(%dma_wait3A_34 : memref<2784xf32, #tpu.memory_space<vmem>>) dst(%dma_wait3A_32 : memref<2784xf32, #tpu.memory_space<hbm>>)
        tpu.yield
      }) : () -> ()
    } else {
    }
    return
  }
}

module attributes {stable_mosaic.version = 14 : i64} {
  func.func @_pool_body(%arg0: i32, %arg1: memref<20000x128xf32, #tpu.memory_space<vmem>>, %arg2: memref<1x1x20000xi32, #tpu.memory_space<vmem>>, %arg3: memref<128x128xf32, #tpu.memory_space<vmem>>, %arg4: memref<1x128xf32, #tpu.memory_space<vmem>>, %arg5: memref<128x1xf32, #tpu.memory_space<vmem>>, %arg6: memref<1x1xf32, #tpu.memory_space<vmem>>, %arg7: memref<1x1x20000xf32, #tpu.memory_space<vmem>>, %arg8: memref<64x1xf32, #tpu.memory_space<vmem>>, %arg9: memref<64x1xf32, #tpu.memory_space<vmem>>, %arg10: memref<64x128xf32, #tpu.memory_space<vmem>>, %arg11: memref<64x1xf32, #tpu.memory_space<vmem>>) attributes {dimension_semantics = [#tpu.dimension_semantics<arbitrary>], iteration_bounds = array<i64: 5>, scalar_prefetch = 0 : i64, scratch_operands = 0 : i64, tpu.core_type = #tpu.core_type<tc>, window_params = [{transform_indices = @transform_0, window_bounds = array<i64: 20000, 128>}, {transform_indices = @transform_1, window_bounds = array<i64: 1, 1, 20000>}, {pipeline_mode = #tpu.pipeline_mode<synchronous>, transform_indices = @transform_2, window_bounds = array<i64: 128, 128>}, {pipeline_mode = #tpu.pipeline_mode<synchronous>, transform_indices = @transform_3, window_bounds = array<i64: 1, 128>}, {pipeline_mode = #tpu.pipeline_mode<synchronous>, transform_indices = @transform_4, window_bounds = array<i64: 128, 1>}, {pipeline_mode = #tpu.pipeline_mode<synchronous>, transform_indices = @transform_5, window_bounds = array<i64: 1, 1>}, {transform_indices = @transform_6, window_bounds = array<i64: 1, 1, 20000>}, {pipeline_mode = #tpu.pipeline_mode<synchronous>, transform_indices = @transform_7, window_bounds = array<i64: 64, 1>}, {pipeline_mode = #tpu.pipeline_mode<synchronous>, transform_indices = @transform_8, window_bounds = array<i64: 64, 1>}, {pipeline_mode = #tpu.pipeline_mode<synchronous>, transform_indices = @transform_9, window_bounds = array<i64: 64, 128>}, {pipeline_mode = #tpu.pipeline_mode<synchronous>, transform_indices = @transform_10, window_bounds = array<i64: 64, 1>}]} {
    %eq3A = arith.constant 0 : i32
    %eq3A_0 = arith.cmpi eq, %arg0, %eq3A : i32
    %convert_element_type3A = arith.extui %eq3A_0 : i1 to i32
    %cond3A = arith.constant 0 : i32
    %cond3A_1 = arith.cmpi ne, %convert_element_type3A, %cond3A : i32
    scf.if %cond3A_1 {
      %broadcast_in_dim3A_77 = arith.constant -1.000000e+30 : f32
      %broadcast_in_dim3A_78 = vector.broadcast %broadcast_in_dim3A_77 : f32 to vector<64x1xf32>
      %swap3A_79 = arith.constant 0 : index
      %swap3A_80 = arith.constant 0 : index
      %swap3A_81 = vector.load %arg8[%swap3A_79, %swap3A_80] : memref<64x1xf32, #tpu.memory_space<vmem>>, vector<64x1xf32>
      tpu.vector_store %arg8[%swap3A_79, %swap3A_80], %broadcast_in_dim3A_78 {strides = array<i32>} : memref<64x1xf32, #tpu.memory_space<vmem>>, vector<64x1xf32>,
      %broadcast_in_dim3A_82 = arith.constant 0.000000e+00 : f32
      %broadcast_in_dim3A_83 = vector.broadcast %broadcast_in_dim3A_82 : f32 to vector<64x1xf32>
      %swap3A_84 = arith.constant 0 : index
      %swap3A_85 = arith.constant 0 : index
      %swap3A_86 = vector.load %arg9[%swap3A_84, %swap3A_85] : memref<64x1xf32, #tpu.memory_space<vmem>>, vector<64x1xf32>
      tpu.vector_store %arg9[%swap3A_84, %swap3A_85], %broadcast_in_dim3A_83 {strides = array<i32>} : memref<64x1xf32, #tpu.memory_space<vmem>>, vector<64x1xf32>,
      %broadcast_in_dim3A_87 = arith.constant 0.000000e+00 : f32
      %broadcast_in_dim3A_88 = vector.broadcast %broadcast_in_dim3A_87 : f32 to vector<64x128xf32>
      %swap3A_89 = arith.constant 0 : index
      %swap3A_90 = arith.constant 0 : index
      %swap3A_91 = vector.load %arg10[%swap3A_89, %swap3A_90] : memref<64x128xf32, #tpu.memory_space<vmem>>, vector<64x128xf32>
      tpu.vector_store %arg10[%swap3A_89, %swap3A_90], %broadcast_in_dim3A_88 {strides = array<i32>} : memref<64x128xf32, #tpu.memory_space<vmem>>, vector<64x128xf32>,
    } else {
    }
    %get3A = arith.constant 0 : index
    %get3A_2 = arith.constant 0 : index
    %get3A_3 = vector.load %arg1[%get3A, %get3A_2] : memref<20000x128xf32, #tpu.memory_space<vmem>>, vector<20000x128xf32>
    %get3A_4 = arith.constant 0 : index
    %get3A_5 = arith.constant 0 : index
    %get3A_6 = vector.load %arg3[%get3A_4, %get3A_5] : memref<128x128xf32, #tpu.memory_space<vmem>>, vector<128x128xf32>
    %dot_general3A = arith.constant dense<0.000000e+00> : vector<20000x128xf32>
    %dot_general3A_7 = tpu.matmul %get3A_3, %get3A_6, %dot_general3A {dimension_numbers = #tpu.dot_dimension_numbers<[1], [0], [0], [1], [0, 0, 1, 1], [], []>, transpose_lhs_hint = false} : vector<20000x128xf32>, vector<128x128xf32>, vector<20000x128xf32> -> vector<20000x128xf32>
    %get3A_8 = arith.constant 0 : index
    %get3A_9 = arith.constant 0 : index
    %get3A_10 = vector.load %arg4[%get3A_8, %get3A_9] : memref<1x128xf32, #tpu.memory_space<vmem>>, vector<1x128xf32>
    %add3A = vector.broadcast %get3A_10 : vector<1x128xf32> to vector<20000x128xf32>
    %add3A_11 = arith.addf %dot_general3A_7, %add3A : vector<20000x128xf32>
    %tanh3A = math.tanh %add3A_11 : vector<20000x128xf32>
    %get3A_12 = arith.constant 0 : index
    %get3A_13 = arith.constant 0 : index
    %get3A_14 = vector.load %arg5[%get3A_12, %get3A_13] : memref<128x1xf32, #tpu.memory_space<vmem>>, vector<128x1xf32>
    %dot_general3A_15 = arith.constant dense<0.000000e+00> : vector<1x20000xf32>
    %dot_general3A_16 = tpu.matmul %get3A_14, %tanh3A, %dot_general3A_15 {dimension_numbers = #tpu.dot_dimension_numbers<[0], [1], [1], [0], [0, 1, 1, 0], [], []>, transpose_lhs_hint = false} : vector<128x1xf32>, vector<20000x128xf32>, vector<1x20000xf32> -> vector<1x20000xf32>
    %get3A_17 = arith.constant 0 : index
    %get3A_18 = arith.constant 0 : index
    %get3A_19 = vector.load %arg6[%get3A_17, %get3A_18] : memref<1x1xf32, #tpu.memory_space<vmem>>, vector<1x1xf32>
    %add3A_20 = vector.broadcast %get3A_19 : vector<1x1xf32> to vector<1x20000xf32>
    %add3A_21 = arith.addf %dot_general3A_16, %add3A_20 : vector<1x20000xf32>
    %swap3A = arith.constant 0 : index
    %swap3A_22 = arith.constant 0 : index
    %swap3A_23 = arith.constant 0 : index
    %swap3A_24 = vector.load %arg7[%swap3A, %swap3A_22, %swap3A_23] : memref<1x1x20000xf32, #tpu.memory_space<vmem>>, vector<1x1x20000xf32>
    %swap3A_25 = vector.shape_cast %swap3A_24 : vector<1x1x20000xf32> to vector<1x20000xf32>
    %swap3A_26 = vector.shape_cast %add3A_21 : vector<1x20000xf32> to vector<1x1x20000xf32>
    tpu.vector_store %arg7[%swap3A, %swap3A_22, %swap3A_23], %swap3A_26 {strides = array<i32>} : memref<1x1x20000xf32, #tpu.memory_space<vmem>>, vector<1x1x20000xf32>,
    %get3A_27 = arith.constant 0 : index
    %get3A_28 = arith.constant 0 : index
    %get3A_29 = arith.constant 0 : index
    %get3A_30 = vector.load %arg2[%get3A_27, %get3A_28, %get3A_29] : memref<1x1x20000xi32, #tpu.memory_space<vmem>>, vector<1x1x20000xi32>
    %get3A_31 = vector.shape_cast %get3A_30 : vector<1x1x20000xi32> to vector<1x20000xi32>
    %iota3A = tpu.iota {dimensions = array<i32: 0>} : vector<64x20000xi32>
    %eq3A_32 = vector.broadcast %get3A_31 : vector<1x20000xi32> to vector<64x20000xi32>
    %eq3A_33 = arith.cmpi eq, %iota3A, %eq3A_32 : vector<64x20000xi32>
    %convert_element_type3A_34 = arith.extui %eq3A_33 : vector<64x20000xi1> to vector<64x20000xi32>
    %convert_element_type3A_35 = arith.sitofp %convert_element_type3A_34 : vector<64x20000xi32> to vector<64x20000xf32>
    %broadcast_in_dim3A = vector.shape_cast %add3A_21 : vector<1x20000xf32> to vector<1x20000xf32>
    %broadcast_in_dim3A_36 = vector.broadcast %broadcast_in_dim3A : vector<1x20000xf32> to vector<64x20000xf32>
    %jit3A = arith.constant -1.000000e+30 : f32
    %broadcast_in_dim3A_37 = vector.broadcast %jit3A : f32 to vector<64x20000xf32>
    %select_n3A = arith.select %eq3A_33, %broadcast_in_dim3A_36, %broadcast_in_dim3A_37 : vector<64x20000xi1>, vector<64x20000xf32>
    %reduce_max3A = arith.constant dense<0xFF800000> : vector<64xf32>
    %reduce_max3A_38 = vector.multi_reduction <maximumf>, %select_n3A, %reduce_max3A [1] : vector<64x20000xf32> to vector<64xf32>
    %broadcast_in_dim3A_39 = vector.shape_cast %reduce_max3A_38 : vector<64xf32> to vector<64x1xf32>
    %get3A_40 = arith.constant 0 : index
    %get3A_41 = arith.constant 0 : index
    %get3A_42 = vector.load %arg8[%get3A_40, %get3A_41] : memref<64x1xf32, #tpu.memory_space<vmem>>, vector<64x1xf32>
    %max3A = arith.maximumf %get3A_42, %broadcast_in_dim3A_39 : vector<64x1xf32>
    %sub3A = arith.subf %get3A_42, %max3A : vector<64x1xf32>
    %exp3A = math.exp %sub3A : vector<64x1xf32>
    %dot_general3A_43 = arith.constant dense<0.000000e+00> : vector<1x20000xf32>
    %dot_general3A_44 = tpu.matmul %max3A, %convert_element_type3A_35, %dot_general3A_43 {dimension_numbers = #tpu.dot_dimension_numbers<[0], [0], [1], [1], [0, 1, 1, 1], [], []>, transpose_lhs_hint = false} : vector<64x1xf32>, vector<64x20000xf32>, vector<1x20000xf32> -> vector<1x20000xf32>
    %sub3A_45 = arith.subf %add3A_21, %dot_general3A_44 : vector<1x20000xf32>
    %exp3A_46 = math.exp %sub3A_45 : vector<1x20000xf32>
    %mul3A = vector.broadcast %exp3A_46 : vector<1x20000xf32> to vector<64x20000xf32>
    %mul3A_47 = arith.mulf %convert_element_type3A_35, %mul3A : vector<64x20000xf32>
    %get3A_48 = arith.constant 0 : index
    %get3A_49 = arith.constant 0 : index
    %get3A_50 = vector.load %arg9[%get3A_48, %get3A_49] : memref<64x1xf32, #tpu.memory_space<vmem>>, vector<64x1xf32>
    %mul3A_51 = arith.mulf %get3A_50, %exp3A : vector<64x1xf32>
    %reduce_sum3A = arith.constant dense<0.000000e+00> : vector<64xf32>
    %reduce_sum3A_52 = vector.multi_reduction <add>, %mul3A_47, %reduce_sum3A [1] : vector<64x20000xf32> to vector<64xf32>
    %broadcast_in_dim3A_53 = vector.shape_cast %reduce_sum3A_52 : vector<64xf32> to vector<64x1xf32>
    %add3A_54 = arith.addf %mul3A_51, %broadcast_in_dim3A_53 : vector<64x1xf32>
    %swap3A_55 = arith.constant 0 : index
    %swap3A_56 = arith.constant 0 : index
    %swap3A_57 = vector.load %arg9[%swap3A_55, %swap3A_56] : memref<64x1xf32, #tpu.memory_space<vmem>>, vector<64x1xf32>
    tpu.vector_store %arg9[%swap3A_55, %swap3A_56], %add3A_54 {strides = array<i32>} : memref<64x1xf32, #tpu.memory_space<vmem>>, vector<64x1xf32>,
    %get3A_58 = arith.constant 0 : index
    %get3A_59 = arith.constant 0 : index
    %get3A_60 = vector.load %arg10[%get3A_58, %get3A_59] : memref<64x128xf32, #tpu.memory_space<vmem>>, vector<64x128xf32>
    %mul3A_61 = vector.broadcast %exp3A : vector<64x1xf32> to vector<64x128xf32>
    %mul3A_62 = arith.mulf %get3A_60, %mul3A_61 : vector<64x128xf32>
    %dot_general3A_63 = arith.constant dense<0.000000e+00> : vector<64x128xf32>
    %dot_general3A_64 = tpu.matmul %mul3A_47, %get3A_3, %dot_general3A_63 {dimension_numbers = #tpu.dot_dimension_numbers<[1], [0], [0], [1], [0, 0, 1, 1], [], []>, transpose_lhs_hint = false} : vector<64x20000xf32>, vector<20000x128xf32>, vector<64x128xf32> -> vector<64x128xf32>
    %add3A_65 = arith.addf %mul3A_62, %dot_general3A_64 : vector<64x128xf32>
    %swap3A_66 = arith.constant 0 : index
    %swap3A_67 = arith.constant 0 : index
    %swap3A_68 = vector.load %arg10[%swap3A_66, %swap3A_67] : memref<64x128xf32, #tpu.memory_space<vmem>>, vector<64x128xf32>
    tpu.vector_store %arg10[%swap3A_66, %swap3A_67], %add3A_65 {strides = array<i32>} : memref<64x128xf32, #tpu.memory_space<vmem>>, vector<64x128xf32>,
    %swap3A_69 = arith.constant 0 : index
    %swap3A_70 = arith.constant 0 : index
    %swap3A_71 = vector.load %arg8[%swap3A_69, %swap3A_70] : memref<64x1xf32, #tpu.memory_space<vmem>>, vector<64x1xf32>
    tpu.vector_store %arg8[%swap3A_69, %swap3A_70], %max3A {strides = array<i32>} : memref<64x1xf32, #tpu.memory_space<vmem>>, vector<64x1xf32>,
    %eq3A_72 = arith.constant 4 : i32
    %eq3A_73 = arith.cmpi eq, %arg0, %eq3A_72 : i32
    %convert_element_type3A_74 = arith.extui %eq3A_73 : i1 to i32
    %cond3A_75 = arith.constant 0 : i32
    %cond3A_76 = arith.cmpi ne, %convert_element_type3A_74, %cond3A_75 : i32
    scf.if %cond3A_76 {
      %get3A_77 = arith.constant 0 : index
      %get3A_78 = arith.constant 0 : index
      %get3A_79 = vector.load %arg9[%get3A_77, %get3A_78] : memref<64x1xf32, #tpu.memory_space<vmem>>, vector<64x1xf32>
      %gt3A = arith.constant 0.000000e+00 : f32
      %gt3A_80 = vector.broadcast %gt3A : f32 to vector<64x1xf32>
      %gt3A_81 = arith.cmpf ogt, %get3A_79, %gt3A_80 : vector<64x1xf32>
      %get3A_82 = arith.constant 0 : index
      %get3A_83 = arith.constant 0 : index
      %get3A_84 = vector.load %arg10[%get3A_82, %get3A_83] : memref<64x128xf32, #tpu.memory_space<vmem>>, vector<64x128xf32>
      %div3A = vector.broadcast %get3A_79 : vector<64x1xf32> to vector<64x128xf32>
      %div3A_85 = arith.divf %get3A_84, %div3A : vector<64x128xf32>
      %jit3A_86 = arith.constant 0.000000e+00 : f32
      %broadcast_in_dim3A_87 = vector.shape_cast %gt3A_81 : vector<64x1xi1> to vector<64x1xi1>
      %broadcast_in_dim3A_88 = vector.broadcast %broadcast_in_dim3A_87 : vector<64x1xi1> to vector<64x128xi1>
      %broadcast_in_dim3A_89 = vector.broadcast %jit3A_86 : f32 to vector<64x128xf32>
      %select_n3A_90 = arith.select %broadcast_in_dim3A_88, %div3A_85, %broadcast_in_dim3A_89 : vector<64x128xi1>, vector<64x128xf32>
      %swap3A_91 = arith.constant 0 : index
      %swap3A_92 = arith.constant 0 : index
      %swap3A_93 = vector.load %arg10[%swap3A_91, %swap3A_92] : memref<64x128xf32, #tpu.memory_space<vmem>>, vector<64x128xf32>
      tpu.vector_store %arg10[%swap3A_91, %swap3A_92], %select_n3A_90 {strides = array<i32>} : memref<64x128xf32, #tpu.memory_space<vmem>>, vector<64x128xf32>,
      %get3A_94 = arith.constant 0 : index
      %get3A_95 = arith.constant 0 : index
      %get3A_96 = vector.load %arg8[%get3A_94, %get3A_95] : memref<64x1xf32, #tpu.memory_space<vmem>>, vector<64x1xf32>
      %gt3A_97 = arith.constant 0.000000e+00 : f32
      %gt3A_98 = vector.broadcast %gt3A_97 : f32 to vector<64x1xf32>
      %gt3A_99 = arith.cmpf ogt, %get3A_79, %gt3A_98 : vector<64x1xf32>
      %log3A = math.log %get3A_79 : vector<64x1xf32>
      %jit3A_100 = arith.constant 0.000000e+00 : f32
      %broadcast_in_dim3A_101 = vector.broadcast %jit3A_100 : f32 to vector<64x1xf32>
      %select_n3A_102 = arith.select %gt3A_99, %log3A, %broadcast_in_dim3A_101 : vector<64x1xi1>, vector<64x1xf32>
      %add3A_103 = arith.addf %get3A_96, %select_n3A_102 : vector<64x1xf32>
      %swap3A_104 = arith.constant 0 : index
      %swap3A_105 = arith.constant 0 : index
      %swap3A_106 = vector.load %arg11[%swap3A_104, %swap3A_105] : memref<64x1xf32, #tpu.memory_space<vmem>>, vector<64x1xf32>
      tpu.vector_store %arg11[%swap3A_104, %swap3A_105], %add3A_103 {strides = array<i32>} : memref<64x1xf32, #tpu.memory_space<vmem>>, vector<64x1xf32>,
    } else {
    }
    return
  }
  func.func @transform_0(%arg0: i32) -> (i32, i32) {
    %c0_i32 = arith.constant 0 : i32
    %c0_i32_0 = arith.constant 0 : i32
    return %arg0, %c0_i32 : i32, i32
  }
  func.func @transform_1(%arg0: i32) -> (i32, i32, i32) {
    %c0_i32 = arith.constant 0 : i32
    %c0_i32_0 = arith.constant 0 : i32
    %c0_i32_1 = arith.constant 0 : i32
    return %arg0, %c0_i32, %c0_i32_0 : i32, i32, i32
  }
  func.func @transform_2(%arg0: i32) -> (i32, i32) {
    %c0_i32 = arith.constant 0 : i32
    %c0_i32_0 = arith.constant 0 : i32
    %c0_i32_1 = arith.constant 0 : i32
    return %c0_i32, %c0_i32_0 : i32, i32
  }
  func.func @transform_3(%arg0: i32) -> (i32, i32) {
    %c0_i32 = arith.constant 0 : i32
    %c0_i32_0 = arith.constant 0 : i32
    %c0_i32_1 = arith.constant 0 : i32
    return %c0_i32, %c0_i32_0 : i32, i32
  }
  func.func @transform_4(%arg0: i32) -> (i32, i32) {
    %c0_i32 = arith.constant 0 : i32
    %c0_i32_0 = arith.constant 0 : i32
    %c0_i32_1 = arith.constant 0 : i32
    return %c0_i32, %c0_i32_0 : i32, i32
  }
  func.func @transform_5(%arg0: i32) -> (i32, i32) {
    %c0_i32 = arith.constant 0 : i32
    %c0_i32_0 = arith.constant 0 : i32
    %c0_i32_1 = arith.constant 0 : i32
    return %c0_i32, %c0_i32_0 : i32, i32
  }
  func.func @transform_6(%arg0: i32) -> (i32, i32, i32) {
    %c0_i32 = arith.constant 0 : i32
    %c0_i32_0 = arith.constant 0 : i32
    %c0_i32_1 = arith.constant 0 : i32
    return %arg0, %c0_i32, %c0_i32_0 : i32, i32, i32
  }
  func.func @transform_7(%arg0: i32) -> (i32, i32) {
    %c0_i32 = arith.constant 0 : i32
    %c0_i32_0 = arith.constant 0 : i32
    %c0_i32_1 = arith.constant 0 : i32
    return %c0_i32, %c0_i32_0 : i32, i32
  }
  func.func @transform_8(%arg0: i32) -> (i32, i32) {
    %c0_i32 = arith.constant 0 : i32
    %c0_i32_0 = arith.constant 0 : i32
    %c0_i32_1 = arith.constant 0 : i32
    return %c0_i32, %c0_i32_0 : i32, i32
  }
  func.func @transform_9(%arg0: i32) -> (i32, i32) {
    %c0_i32 = arith.constant 0 : i32
    %c0_i32_0 = arith.constant 0 : i32
    %c0_i32_1 = arith.constant 0 : i32
    return %c0_i32, %c0_i32_0 : i32, i32
  }
  func.func @transform_10(%arg0: i32) -> (i32, i32) {
    %c0_i32 = arith.constant 0 : i32
    %c0_i32_0 = arith.constant 0 : i32
    %c0_i32_1 = arith.constant 0 : i32
    return %c0_i32, %c0_i32_0 : i32, i32
  }
}

</mosaic_0001>

<sc_bundles>
// kernel: kernel.4.cloned.1.call-start
scs
__scs_entry_jumppad:
0x0: {  	(pc) =	sbr.rel $0x88, $3  }
0x1: {  	(tag) =	ssettag $0x0;
	lr =	simm.s32 $0x1  }
0x2: {  	[smem:$0x3F9B] =	sst lr;
	_ =	strace $0xD0000000  }
0x3: {  	_ = 	snop  }
0x4: {  	_ = 	snop  }
0x5: {  	_ = 	snop  }
0x6: {  	_ = 	snop  }
0x7: {  	_ = 	snop  }
__scs_overlays_trampoline_lowered:
0x8: {  	[smem:$0x3FAA] =	sst s0  }
0x9: {  	[smem:$0x3FAB] =	sst s1  }
0xa: {  	[smem:$0x3FAC] =	sst s2  }
0xb: {  	[smem:$0x3FAD] =	sst s3  }
0xc: {  	[smem:$0x3FAE] =	sst s4  }
0xd: {  	[smem:$0x3FAF] =	sst s5  }
0xe: {  	[smem:$0x3FB0] =	sst s6  }
0xf: {  	[smem:$0x3FB1] =	sst s7  }
0x10: {  	[smem:$0x3FB2] =	sst s8  }
0x11: {  	[smem:$0x3FB3] =	sst s9;
	s0 =	simm.s32 @!p0 $0x0  }
0x12: {  	s1 =	sld [smem:$0x3F99];
	s0 =	simm.s32 @p0 $0x1  }
0x13: {  	[smem:$0x3FB4] =	sst s0;
	s0 =	simm.s32 @!p1 $0x0  }
0x14: {  	s2 =	sld [smem:$0x3F98];
	s0 =	simm.s32 @p1 $0x1  }
0x15: {  	[smem:$0x3FB5] =	sst s0;
	s0 =	simm.s32 @!p2 $0x0  }
0x16: {  	s3 =	sld [smem:$0x3FDB];
	s0 =	simm.s32 @p2 $0x1  }
0x17: {  	s4 =	simm.s32 $0x1BF5;
	[smem:$0x3FB7] =	sst s0  }
0x18: {  	s0 =	sld [smem:$0x3F9A];
	_ =	swait.ge [sflag:s4], $0x0  }
0x19: {  	s7 =	sld [smem:$0x3F9B]  }
0x1a: {  	s8 =	sadd.s32 $0xFFFFE003, lr  }
0x1b: {  	s9 =	sadd.s32 $0xFFFFFEF7, lr;
	s5 =	simm.s32 $0xFFFFFFFF;
	p2 =	slt.u32 s8, $0xFFFFF086  }
0x1c: {  	p1 =	slt.u32 s9, $0xF7A;
	s5 =	simm.s32 @!p2 $0x0  }
0x1d: {  	s5 =	simm.s32 @p1 $0x1;
	p0 =	seq.s32 s7, s2  }
0x1e: {  	s7 =	smul.u32 @!p0 $0xF7A, s2;
	p2 =	seq.s32 @!p0 s5, $0x0  }
0x1f: {  	s9 =	smul.u32 $0xF7A, s1;
	s8 =	simm.s32 @!p0 $0x1BF5;
	p2 =	por !p2, p0  }
0x20: {  	[sflag:s8] =	ssyncset.s32 @!p0 $0xFFFFF086;
	s6 =	sadd.s32 @!p0 s3, s7;
	s7 =	simm.s32 @!p0 $0x108  }
0x21: {  	s3 =	sadd.s32 s3, s9;
	s6 =	sadd.s32 @!p0 $0x88, s6;
	s7 =	simm.s32 @p2 $0x1082  }
0x22: {  	[simem:s7], [sflag:s8] =	dma.local @!p0 [hbm:s6], $0xF7A  }
0x23: {  	s9 =	sor.u32 $0xD0000000, s2;
	s6 =	simm.s32 $0x108;
	_ =	swait.ge @!p0 [sflag:s8], $0x0  }
0x24: {  	s3 =	sadd.s32 $0x88, s3;
	s6 =	simm.s32 @!p1 $0x1082;
	[sflag:s4] =	ssyncset.s32 $0xFFFFF086  }
0x25: {  	[simem:s6], [sflag:s4] =	dma.local [hbm:s3], $0xF7A  }
0x26: {  	[smem:$0x3F9B] =	sst s1;
	(tag) =	ssettag s2;
	_ =	strace s9  }
0x27: {  	s1 =	sld [smem:$0x3FAB]  }
0x28: {  	s2 =	sld [smem:$0x3FAC]  }
0x29: {  	s4 =	sld [smem:$0x3FAE]  }
0x2a: {  	p0 =	seq.s32 s5, $0x0;
	s5 =	sld [smem:$0x3FAF]  }
0x2b: {  	s6 =	sld [smem:$0x3FB0]  }
0x2c: {  	s7 =	sld [smem:$0x3FB1]  }
0x2d: {  	s3 =	simm.s32 $0x108;
	s8 =	sld [smem:$0x3FB2]  }
0x2e: {  	s3 =	simm.s32 @!p0 $0x1082;
	s9 =	sld [smem:$0x3FB3]  }
0x2f: {  	lr =	sadd.s32 s0, s3;
	s0 =	sld [smem:$0x3FAA]  }
0x30: {  	s3 =	sld [smem:$0x3FAD]  }
0x31: {  	[smem:$0x3FB6] =	sst s10  }
0x32: {  	s10 =	sld [smem:$0x3FB4];
	_ =	sdelay $0x3  }
0x33: {  	p0 =	seq.s32 s10, $0x1;
	s10 =	sld [smem:$0x3FB6];
	_ =	sdelay $0x3  }
0x34: {  	[smem:$0x3FB6] =	sst s10  }
0x35: {  	s10 =	sld [smem:$0x3FB5];
	_ =	sdelay $0x3  }
0x36: {  	p1 =	seq.s32 s10, $0x1;
	s10 =	sld [smem:$0x3FB6];
	_ =	sdelay $0x3  }
0x37: {  	[smem:$0x3FB6] =	sst s10  }
0x38: {  	s10 =	sld [smem:$0x3FB7]  }
0x39: {  	_ = 	snop;
	(pc) =	sbr.ind lr, $3  }
0x3a: {  	_ = 	snop  }
0x3b: {  	_ = 	snop  }
0x3c: {  	p2 =	seq.s32 s10, $0x1;
	s10 =	sld [smem:$0x3FB6]  }
0x3d: {  	_ =	shalt  }
0x3e: {  	_ =	shalt  }
0x3f: {  	_ =	shalt  }
0x40: {  	_ =	shalt  }
0x41: {  	_ =	shalt  }
0x42: {  	_ =	shalt  }
0x43: {  	_ =	shalt  }
0x44: {  	_ =	shalt  }
0x45: {  	_ =	shalt  }
0x46: {  	_ =	shalt  }
0x47: {  	_ =	shalt  }
0x48: {  	_ =	shalt  }
0x49: {  	_ =	shalt  }
0x4a: {  	_ =	shalt  }
0x4b: {  	_ =	shalt  }
0x4c: {  	_ =	shalt  }
0x4d: {  	_ =	shalt  }
0x4e: {  	_ =	shalt  }
0x4f: {  	_ =	shalt  }
0x50: {  	_ =	shalt  }
0x51: {  	_ =	shalt  }
0x52: {  	_ =	shalt  }
0x53: {  	_ =	shalt  }
0x54: {  	_ =	shalt  }
0x55: {  	_ =	shalt  }
0x56: {  	_ =	shalt  }
0x57: {  	_ =	shalt  }
0x58: {  	_ =	shalt  }
0x59: {  	_ =	shalt  }
0x5a: {  	_ =	shalt  }
0x5b: {  	_ =	shalt  }
0x5c: {  	_ =	shalt  }
0x5d: {  	_ =	shalt  }
0x5e: {  	_ =	shalt  }
0x5f: {  	_ =	shalt  }
0x60: {  	_ =	shalt  }
0x61: {  	_ =	shalt  }
0x62: {  	_ =	shalt  }
0x63: {  	_ =	shalt  }
0x64: {  	_ =	shalt  }
0x65: {  	_ =	shalt  }
0x66: {  	_ =	shalt  }
0x67: {  	_ =	shalt  }
0x68: {  	_ =	shalt  }
0x69: {  	_ =	shalt  }
0x6a: {  	_ =	shalt  }
0x6b: {  	_ =	shalt  }
0x6c: {  	_ =	shalt  }
0x6d: {  	_ =	shalt  }
0x6e: {  	_ =	shalt  }
0x6f: {  	_ =	shalt  }
0x70: {  	_ =	shalt  }
0x71: {  	_ =	shalt  }
0x72: {  	_ =	shalt  }
0x73: {  	_ =	shalt  }
0x74: {  	_ =	shalt  }
0x75: {  	_ =	shalt  }
0x76: {  	_ =	shalt  }
0x77: {  	_ =	shalt  }
0x78: {  	_ =	shalt  }
0x79: {  	_ =	shalt  }
0x7a: {  	_ =	shalt  }
0x7b: {  	_ =	shalt  }
0x7c: {  	_ =	shalt  }
0x7d: {  	_ =	shalt  }
0x7e: {  	_ =	shalt  }
0x7f: {  	_ =	shalt  }
0x80: {  	_ =	shalt  }
0x81: {  	_ =	shalt  }
0x82: {  	_ =	shalt  }
0x83: {  	_ =	shalt  }
0x84: {  	_ =	shalt  }
0x85: {  	_ =	shalt  }
0x86: {  	_ =	shalt  }
0x87: {  	_ =	shalt  }
.Lfunc_end0:
.L_simem_size_0:
called_computation_lowered:
.L_overlay_start_0:
0x88: {  	s2 =	sld [smem:$0x3FD9]  }
0x89: {  	s3 =	sld [smem:$0x3FFE];
	_ =	sdelay $0x1  }
0x8a: {  	s1 =	srdreg.scid  }
0x8b: {  	s0 =	sand.u32 $0x1, s1  }
0x8c: {  	s14 =	sshll.u32 s0, $0xA;
	s2 =	sadd.s32 s3, s2  }
0x8d: {  	s2 =	sadd.s32 s2, s14  }
0x8e: {  	[smem:$0x3FC2] =	sst s2  }
0x8f: {  	_ = 	snop  }
0x90: {  	s2 =	sld [smem:$0x3FD0];
	_ =	sdelay $0x2  }
0x91: {  	s4 =	simm.s32 $0xA;
	s5 =	simm.s32 $0x10;
	s15 =	sld [smem:$0x3FC8]  }
0x92: {  	[smem:s5], [sflag:s4] =	dma.local [hbm:s2], $0x1  }
0x93: {  	_ =	swait.eq [sflag:s4], $0x1  }
0x94: {  	[sflag:s4] =	ssyncset.done $0x0  }
0x95: {  	[sflag:s4] =	ssyncadd.s32 $0xFFFFFFFF  }
0x96: {  	s16 =	sld [smem:$0x11];
	(tm) =	ssettm $0x1  }
0x97: {  	s17 =	sld [smem:$0x3FFB];
	_ =	sdelay $0x3  }
0x98: {  	_ =	strace s17  }
0x99: {  	s4 =	sld [smem:$0x3FFC];
	_ =	sdelay $0x3  }
0x9a: {  	_ =	strace s4  }
0x9b: {  	s4 =	sld [smem:$0x3FFD];
	_ =	sdelay $0x3  }
0x9c: {  	_ =	strace s4  }
0x9d: {  	_ =	strace $0x8FFFFFFF  }
0x9e: {  	s18 =	sld [smem:$0x3FDB];
	_ =	sdelay $0x1  }
0x9f: {  	s19 =	simm.s32 $_scs_section_size  }
0xa0: {  	s6 =	simm.s32 $_size__tile_overlayer_lowered;
	s7 =	simm.s32 $_tile_overlayer_lowered  }
0xa1: {  	s22 =	simm.s32 $0x1BFF;
	s21 =	sshll.u32 s7, $0x1;
	s4 =	sadd.s32 s19, s18  }
0xa2: {  	s8 =	simm.s32 $0x0;
	s20 =	sshll.u32 s6, $0x1;
	s6 =	sadd.s32 s21, s4  }
0xa3: {  	[timem:s8], [sflag:s22] =	dma.local [hbm:s6], s20  }
0xa4: {  	_ =	swait.ge [sflag:s22], s20  }
0xa5: {  	s5 =	ssub.s32 $0x0, s20;
	[sflag:s22] =	ssyncset.done $0x0  }
0xa6: {  	[sflag:s22] =	ssyncadd.s32 s5;
	_ =	sdelay $0x1  }
0xa7: {  	s23 =	simm.s32 $0x1B8B  }
0xa8: {  	_ =	swait.ge [sflag:s23], $0x1  }
0xa9: {  	[sflag:s23] =	ssyncset.done $0x0  }
0xaa: {  	s25 =	simm.s32 $0x1B8E;
	s24 =	sld [smem:$0x3FFE];
	[sflag:s23] =	ssyncadd.s32 $0xFFFFFFFF  }
0xab: {  	s26 =	simm.s32 $execute0_lowered;
	[smem:$0x3FD2] =	sst s25  }
0xac: {  	s6 =	sshll.u32 s26, $0x1;
	_ =	strace $0x80000046;
	[dreg:$0x1] =	wrdreg $0xFFFFFFFF  }
0xad: {  	s28 =	simm.s32 $_size_execute0_lowered;
	s4 =	sadd.s32 s4, s6;
	[dreg:$0x0] =	wrdreg $0x0  }
0xae: {  	s6 =	sshll.u32 s28, $0x1;
	[dreg:$0x2] =	wrdreg s4  }
0xaf: {  	[dreg:$0x3] =	wrdreg s6  }
0xb0: {  	[dreg:$0x4] =	wrdreg $0xC0  }
0xb1: {  	_ =	task [dreg:s8], $0x5FFFF  }
0xb2: {  	[dreg:$0x1] =	wrdreg $0xFFFFFFFF  }
0xb3: {  	[dreg:$0x0] =	wrdreg $0x60  }
0xb4: {  	[dreg:$0x2] =	wrdreg s24  }
0xb5: {  	[dreg:$0x3] =	wrdreg s15  }
0xb6: {  	[dreg:$0x4] =	wrdreg s16  }
0xb7: {  	[dreg:$0x5] =	wrdreg $0x9  }
0xb8: {  	_ =	task.clear_ibuf [dreg:s8], $0x6FFFF;
	_ =	strace $0x90000046  }
0xb9: {  	s29 =	simm.s32 $0x9;
	_ =	strace $0x80000048  }
0xba: {  	_ =	swait.ge [sflag:s29], $0x1  }
0xbb: {  	[sflag:s29] =	ssyncadd.s32 $0xFFFFFFFF  }
0xbc: {  	_ =	strace $0x90000048  }
0xbd: {  	_ =	sfence  }
0xbe: {  	s30 =	sld [smem:$0x0];
	_ =	sdelay $0x2  }
0xbf: {  	s31 =	sshll.u32 s1, $0xD;
	s1 =	sshrl.u32 s1, $0x2  }
0xc0: {  	s3 =	sand.u32 $0x4000, s31;
	s1 =	sadd.s32 s1, s30  }
0xc1: {  	s0 =	sor.u32 s3, s0;
	s1 =	sshll.u32 s1, $0x11  }
0xc2: {  	s0 =	sor.u32 s1, s0  }
0xc3: {  	s0 =	sadd.s32 $0x8F2B, s0  }
0xc4: {  	[sflag:s0] =	ssyncadd.remote.s32 $0x1  }
0xc5: {  	_ =	sfence.sel $0xFFFF  }
0xc6: {  	[dreg:$0x0] =	wrdreg $0xFFFFFFFF;
	(pc) =	sbr.abs _section_cstart, $3  }
0xc7: {  	[dreg:$0x1] =	wrdreg $0xFFFFFFFF  }
0xc8: {  	_ =	task.clear_ibuf [dreg:s8], $0x2FFFF;
	_ =	strace $0x9FFFFFFF  }
0xc9: {  	(tm) =	ssettm $0x7FFFFFFF  }
tec
execute0_lowered:
.L_overlay_start_1:
0x0: {  	(tag) =	ssettag $0x1  }
0x1: {  	s2 =	srdreg.scid;
	s1 =	rddreg [dreg:$0x0]  }
0x2: {  	s0 =	stileid.u32;
	s8 =	rddreg [dreg:$0x1]  }
0x3: {  	s9 =	rddreg [dreg:$0x2];
	s3 =	simm.s32 $0x0;
	s12 =	simm.s32 $0x1  }
0x4: {  	s13 =	simm.s32 $0xC80;
	s4 =	sand.u32 $0x1, s2;
	s31 =	sshll.u32 s0, $0x1  }
0x5: {  	s14 =	simm.s32 $0x1980;
	s2 =	rddreg [dreg:$0x3];
	s11 =	sor.u32 s4, s31  }
0x6: {  	s15 =	simm.s32 $0x0;
	[smem:$0x7FF] =	sst s3;
	s6 =	smul.u32 $0x188, s11  }
.Ltmp0:
0x7: {  	s4 =	ssub.s32 $0x2, s4;
	_ =	strace $0x80000047;
	(pc) =	sbr.rel .LBB2_1-.Ltmp0, $4  }
0x8: {  	s7 =	sshrl.u32 s4, $0x1;
	p0 =	seq.s32 s11, $0x1F;
	s11 =	simm.s32 $0x1900  }
0x9: {  	s10 =	ssub.s32 s4, s7;
	s7 =	sadd.s32 $0x3178, s1;
	s5 =	sadd.s32 s6, s1  }
0xa: {  	s10 =	smax.u32 s10, $0x1;
	s4 =	sadd.s32 $0x200, s5;
	s5 =	sadd.s32 s8, s6  }
0xb: {  	s6 =	sadd.s32 s9, s6;
	s8 =	sadd.s32 $0x2F78, s8;
	s9 =	sadd.s32 $0x2F78, s9  }
.LBB2_7:
0xc: {  	v7 =	vand.u32 $0xF, v5  }
0xd: {  	v8 =	vld [tilespmem:s19+$0x0];
	v57 =	vshra.s32 v5, $0x4;
	v3 =	vperm.xlane v3, v7;
	v2 =	vperm.xlane v2, v7  }
0xe: {  	vm0 =	veq.s32 v57, $0x1;
	v1 =	vperm.xlane v1, v7  }
0xf: {  	vm14 =	veq.s32 v57, $0x2;
	v0 =	vperm.xlane v0, v7;
	v2 =	vsel vm0, v2, v3  }
0x10: {  	vm15 =	veq.s32 v57, $0x3;
	v1 =	vsel vm14, v1, v2  }
0x11: {  	v58 =	vsub.f32 v4, v6;
	v0 =	vsel vm15, v0, v1  }
0x12: {  	v0 =	vsub.f32 v8, v0  }
0x13: {  	v59 =	vmul.f32 $1.442695020e+00, v58  }
0x14: {  	v0 =	vmul.f32 $1.442695020e+00, v0  }
0x15: {  	(erf) = vpow2.f32 v59  }
0x16: {  	(erf) = vpow2.f32 v0;
	_ =	sdelay $0x5  }
0x17: {  	v60 =	vpop (erf)  }
0x18: {  	[tilespmem:s16+$0x1980] =	vst v60;
	v61 =	vpop (erf)  }
0x19: {  	[tilespmem:s17+$0x1980] =	vst v61;
	v62 =	vpop (erf)  }
0x1a: {  	[tilespmem:s18+$0x1980] =	vst v62;
	v63 =	vpop (erf)  }
0x1b: {  	[tilespmem:s19+$0x1980] =	vst v63  }
0x1c: {  	[hbm4b:s9+s3] =	stream.linear.scatter [tilespmem:s14], [sflag:$0x1], $0xAE0, $0x38;
	[tilespmem:$0x2600] =	vst v63  }
0x1d: {  	_ =	swait.ge [sflag:s12], $0xAE0  }
0x1e: {  	[sflag:s12] =	ssyncset.done $0x0  }
0x1f: {  	[sflag:s12] =	ssyncadd.s32 $0xFFFFF520  }
.LBB2_8:
0x20: {  	s15 =	sadd.s32 $0x1, s15  }
0x21: {  	p1 =	sne.s32 s15, s10  }
.Ltmp1:
0x22: {  	_ = 	snop;
	(pc) =	sbr.rel @!p1 .LBB2_9-.Ltmp1, $1  }
0x23: {  	_ =	sdelay $0x3  }
.LBB2_1:
0x24: {  	[tilespmem:s11], [sflag:$0x1] =	stream.linear.gather [hbm4b:s1+s3], $0x80, $0x38;
	[tilespmem:$0x2600] =	vst v63  }
0x25: {  	_ =	swait.ge [sflag:s12], $0x80  }
0x26: {  	[sflag:s12] =	ssyncset.done $0x0  }
0x27: {  	[sflag:s12] =	ssyncadd.s32 $0xFFFFFF80  }
.Ltmp2:
0x28: {  	v3 =	vld [tilespmem:$0x1900];
	(pc) =	sbr.rel @!p0 .LBB2_2-.Ltmp2, $4  }
0x29: {  	v2 =	vld [tilespmem:$0x1910]  }
0x2a: {  	v1 =	vld [tilespmem:$0x1920]  }
0x2b: {  	v0 =	vld [tilespmem:$0x1930]  }
0x2c: {  	s16 =	simm.s32 $0x0  }
0x2d: {  	[tilespmem:s16], [sflag:$0x1] =	stream.linear.gather [hbm4b:s7+s16], $0xAE0, $0x38;
	[tilespmem:$0x2600] =	vst v63  }
0x2e: {  	_ =	swait.ge [sflag:s12], $0xAE0  }
0x2f: {  	[sflag:s12] =	ssyncset.done $0x0  }
0x30: {  	[sflag:s12] =	ssyncadd.s32 $0xFFFFF520  }
0x31: {  	[tilespmem:s13], [sflag:$0x1] =	stream.linear.gather [hbm4b:s8+s16], $0xAE0, $0x38;
	[tilespmem:$0x2600] =	vst v63  }
0x32: {  	_ =	swait.ge [sflag:s12], $0xAE0  }
0x33: {  	[sflag:s12] =	ssyncset.done $0x0  }
0x34: {  	s16 =	simm.s32 $0x0;
	[sflag:s12] =	ssyncadd.s32 $0xFFFFF520  }
0x35: {  	v4 =	vld [tilespmem:s16+$0xC80];
	_ =	sdelay $0x2  }
0x36: {  	s17 =	simm.s32 $0x10  }
0x37: {  	v5 =	vld [tilespmem:s17+$0xC80]  }
0x38: {  	v6 =	vand.u32 $0xF, v4  }
0x39: {  	v10 =	vld [tilespmem:s16+$0x0];
	v4 =	vshra.s32 v4, $0x4;
	v7 =	vperm.xlane v3, v6;
	v8 =	vperm.xlane v2, v6  }
0x3a: {  	vm0 =	veq.s32 v4, $0x1;
	v9 =	vperm.xlane v1, v6  }
0x3b: {  	vm8 =	veq.s32 v4, $0x2;
	v6 =	vperm.xlane v0, v6;
	v7 =	vsel vm0, v8, v7  }
0x3c: {  	s18 =	simm.s32 $0x20;
	vm9 =	veq.s32 v4, $0x3;
	v4 =	vand.u32 $0xF, v5;
	v7 =	vsel vm8, v9, v7  }
0x3d: {  	v60 =	vld [tilespmem:s18+$0xC80];
	v5 =	vshra.s32 v5, $0x4;
	v11 =	vperm.xlane v3, v4;
	v6 =	vsel vm9, v6, v7  }
0x3e: {  	v12 =	vperm.xlane v2, v4;
	vm10 =	veq.s32 v5, $0x1;
	v8 =	vld [tilespmem:s17+$0x0];
	v6 =	vsub.f32 v10, v6  }
0x3f: {  	vm11 =	veq.s32 v5, $0x2;
	vm12 =	veq.s32 v5, $0x3;
	v7 =	vperm.xlane v1, v4  }
0x40: {  	v11 =	vsel vm10, v12, v11;
	v4 =	vperm.xlane v0, v4;
	v5 =	vmul.f32 $1.442695020e+00, v6  }
0x41: {  	v7 =	vsel vm11, v7, v11  }
0x42: {  	v4 =	vsel vm12, v4, v7;
	(erf) = vpow2.f32 v5  }
0x43: {  	s19 =	simm.s32 $0x30;
	v6 =	vand.u32 $0xF, v60;
	v4 =	vsub.f32 v8, v4  }
0x44: {  	v8 =	vperm.xlane v3, v6;
	v5 =	vld [tilespmem:s19+$0xC80]  }
0x45: {  	v7 =	vshra.s32 v60, $0x4;
	v61 =	vperm.xlane v2, v6;
	v63 =	vmul.f32 $1.442695020e+00, v4;
	v4 =	vld [tilespmem:s18+$0x0]  }
0x46: {  	vm13 =	veq.s32 v7, $0x1;
	v62 =	vperm.xlane v1, v6  }
0x47: {  	vm14 =	veq.s32 v7, $0x2;
	v6 =	vperm.xlane v0, v6;
	v8 =	vsel vm13, v61, v8  }
0x48: {  	vm15 =	veq.s32 v7, $0x3;
	v8 =	vsel vm14, v62, v8  }
0x49: {  	s20 =	simm.s32 $0x100;
	(erf) = vpow2.f32 v63;
	v6 =	vsel vm15, v6, v8  }
.LBB2_6:
0x4a: {  	s21 =	sshra.s32 s20, $0x2;
	p1 =	sne.s32 s20, $0x2B40;
	s20 =	sadd.s32 $0x40, s20;
	v7 =	vand.u32 $0xF, v5;
	v6 =	vsub.f32 v4, v6;
	v4 =	vld [tilespmem:s19+$0x0]  }
.Ltmp3:
0x4b: {  	v8 =	vshra.s32 v5, $0x4;
	v5 =	vld [tilespmem:s21+$0xC80];
	v9 =	vperm.xlane v3, v7;
	v10 =	vperm.xlane v2, v7;
	v11 =	vpop (erf);
	(pc) =	sbr.rel @p1 .LBB2_6-.Ltmp3, $4  }
0x4c: {  	vm0 =	veq.s32 v8, $0x1;
	v12 =	vperm.xlane v1, v7;
	v6 =	vmul.f32 $1.442695020e+00, v6;
	[tilespmem:s16+$0x1980] =	vst v11;
	s16 =	smov.u32 s17;
	s17 =	smov.u32 s18;
	s18 =	smov.u32 s19  }
0x4d: {  	v7 =	vperm.xlane v0, v7;
	s19 =	smov.u32 s21;
	v9 =	vsel vm0, v10, v9;
	vm0 =	veq.s32 v8, $0x2  }
0x4e: {  	v9 =	vsel vm0, v12, v9;
	vm0 =	veq.s32 v8, $0x3;
	(erf) = vpow2.f32 v6  }
0x4f: {  	v6 =	vsel vm0, v7, v9  }
.Ltmp4:
0x50: {  	_ = 	snop;
	(pc) =	sbr.rel .LBB2_7-.Ltmp4, $1  }
0x51: {  	_ =	sdelay $0x3  }
.LBB2_2:
0x52: {  	[tilespmem:s16], [sflag:$0x1] =	stream.linear.gather [hbm4b:s4+s16], $0xC40, $0x38;
	[tilespmem:$0x2600] =	vst v63  }
0x53: {  	_ =	swait.ge [sflag:s12], $0xC40  }
0x54: {  	[sflag:s12] =	ssyncset.done $0x0  }
0x55: {  	[sflag:s12] =	ssyncadd.s32 $0xFFFFF3C0  }
0x56: {  	[tilespmem:s13], [sflag:$0x1] =	stream.linear.gather [hbm4b:s5+s16], $0xC40, $0x38;
	[tilespmem:$0x2600] =	vst v63  }
0x57: {  	_ =	swait.ge [sflag:s12], $0xC40  }
0x58: {  	[sflag:s12] =	ssyncset.done $0x0  }
0x59: {  	s16 =	simm.s32 $0x0;
	[sflag:s12] =	ssyncadd.s32 $0xFFFFF3C0  }
0x5a: {  	v4 =	vld [tilespmem:s16+$0xC80];
	_ =	sdelay $0x2  }
0x5b: {  	s17 =	simm.s32 $0x10  }
0x5c: {  	v5 =	vld [tilespmem:s17+$0xC80]  }
0x5d: {  	v6 =	vand.u32 $0xF, v4  }
0x5e: {  	v10 =	vld [tilespmem:s16+$0x0];
	v4 =	vshra.s32 v4, $0x4;
	v7 =	vperm.xlane v3, v6;
	v8 =	vperm.xlane v2, v6  }
0x5f: {  	vm0 =	veq.s32 v4, $0x1;
	v9 =	vperm.xlane v1, v6;
	vm8 =	veq.s32 v4, $0x2  }
0x60: {  	v6 =	vperm.xlane v0, v6;
	vm9 =	veq.s32 v4, $0x3;
	v7 =	vsel vm0, v8, v7  }
0x61: {  	v4 =	vand.u32 $0xF, v5;
	v5 =	vshra.s32 v5, $0x4;
	v7 =	vsel vm8, v9, v7  }
0x62: {  	v11 =	vperm.xlane v3, v4;
	v12 =	vperm.xlane v2, v4;
	v8 =	vld [tilespmem:s17+$0x0];
	v6 =	vsel vm9, v6, v7  }
0x63: {  	s18 =	simm.s32 $0x20;
	vm10 =	veq.s32 v5, $0x1;
	v7 =	vperm.xlane v1, v4;
	v6 =	vsub.f32 v10, v6  }
0x64: {  	v60 =	vld [tilespmem:s18+$0xC80];
	vm11 =	veq.s32 v5, $0x2;
	v11 =	vsel vm10, v12, v11;
	v4 =	vperm.xlane v0, v4  }
0x65: {  	vm12 =	veq.s32 v5, $0x3;
	v7 =	vsel vm11, v7, v11;
	v5 =	vmul.f32 $1.442695020e+00, v6  }
0x66: {  	v4 =	vsel vm12, v4, v7  }
0x67: {  	v4 =	vsub.f32 v8, v4;
	(erf) = vpow2.f32 v5  }
0x68: {  	s19 =	simm.s32 $0x30  }
0x69: {  	v6 =	vand.u32 $0xF, v60;
	v5 =	vld [tilespmem:s19+$0xC80];
	v63 =	vmul.f32 $1.442695020e+00, v4  }
0x6a: {  	v7 =	vshra.s32 v60, $0x4;
	v8 =	vperm.xlane v3, v6;
	v61 =	vperm.xlane v2, v6;
	v4 =	vld [tilespmem:s18+$0x0]  }
0x6b: {  	vm13 =	veq.s32 v7, $0x1;
	v62 =	vperm.xlane v1, v6;
	(erf) = vpow2.f32 v63  }
0x6c: {  	vm14 =	veq.s32 v7, $0x2;
	v6 =	vperm.xlane v0, v6;
	v8 =	vsel vm13, v61, v8  }
0x6d: {  	vm15 =	veq.s32 v7, $0x3;
	v8 =	vsel vm14, v62, v8  }
0x6e: {  	s20 =	simm.s32 $0x100;
	v6 =	vsel vm15, v6, v8  }
.LBB2_3:
0x6f: {  	s21 =	sshra.s32 s20, $0x2;
	p1 =	sne.s32 s20, $0x30C0;
	s20 =	sadd.s32 $0x40, s20;
	v7 =	vand.u32 $0xF, v5;
	v6 =	vsub.f32 v4, v6;
	v4 =	vld [tilespmem:s19+$0x0]  }
.Ltmp5:
0x70: {  	v8 =	vshra.s32 v5, $0x4;
	v5 =	vld [tilespmem:s21+$0xC80];
	v9 =	vperm.xlane v3, v7;
	v10 =	vperm.xlane v2, v7;
	v11 =	vpop (erf);
	(pc) =	sbr.rel @p1 .LBB2_3-.Ltmp5, $4  }
0x71: {  	vm0 =	veq.s32 v8, $0x1;
	v12 =	vperm.xlane v1, v7;
	v6 =	vmul.f32 $1.442695020e+00, v6;
	[tilespmem:s16+$0x1980] =	vst v11;
	s16 =	smov.u32 s17;
	s17 =	smov.u32 s18;
	s18 =	smov.u32 s19  }
0x72: {  	v7 =	vperm.xlane v0, v7;
	s19 =	smov.u32 s21;
	v9 =	vsel vm0, v10, v9;
	vm0 =	veq.s32 v8, $0x2  }
0x73: {  	v9 =	vsel vm0, v12, v9;
	vm0 =	veq.s32 v8, $0x3;
	(erf) = vpow2.f32 v6  }
0x74: {  	v6 =	vsel vm0, v7, v9  }
0x75: {  	v7 =	vand.u32 $0xF, v5  }
0x76: {  	v8 =	vld [tilespmem:s19+$0x0];
	v57 =	vshra.s32 v5, $0x4;
	v3 =	vperm.xlane v3, v7;
	v2 =	vperm.xlane v2, v7  }
0x77: {  	vm0 =	veq.s32 v57, $0x1;
	v1 =	vperm.xlane v1, v7  }
0x78: {  	vm14 =	veq.s32 v57, $0x2;
	v0 =	vperm.xlane v0, v7;
	v2 =	vsel vm0, v2, v3  }
0x79: {  	vm15 =	veq.s32 v57, $0x3;
	v1 =	vsel vm14, v1, v2  }
0x7a: {  	v58 =	vsub.f32 v4, v6;
	v0 =	vsel vm15, v0, v1  }
0x7b: {  	v0 =	vsub.f32 v8, v0  }
0x7c: {  	v59 =	vmul.f32 $1.442695020e+00, v58  }
0x7d: {  	v0 =	vmul.f32 $1.442695020e+00, v0  }
0x7e: {  	(erf) = vpow2.f32 v59  }
0x7f: {  	(erf) = vpow2.f32 v0;
	_ =	sdelay $0x5  }
0x80: {  	v60 =	vpop (erf)  }
0x81: {  	[tilespmem:s16+$0x1980] =	vst v60;
	v61 =	vpop (erf)  }
0x82: {  	[tilespmem:s17+$0x1980] =	vst v61;
	v62 =	vpop (erf)  }
0x83: {  	[tilespmem:s18+$0x1980] =	vst v62;
	v63 =	vpop (erf)  }
.Ltmp6:
0x84: {  	[tilespmem:s19+$0x1980] =	vst v63;
	(pc) =	sbr.rel .LBB2_8-.Ltmp6, $4  }
0x85: {  	[hbm4b:s6+s3] =	stream.linear.scatter [tilespmem:s14], [sflag:$0x1], $0xC40, $0x38;
	[tilespmem:$0x2600] =	vst v63  }
0x86: {  	_ =	swait.ge [sflag:s12], $0xC40  }
0x87: {  	[sflag:s12] =	ssyncset.done $0x0  }
0x88: {  	[sflag:s12] =	ssyncadd.s32 $0xFFFFF3C0  }
.LBB2_9:
0x89: {  	_ =	sfence.sel $0x180000  }
0x8a: {  	[bflag:$0x0] =	sbarrier.arrive $0xFFFF  }
0x8b: {  	p0 =	sne.s32 s0, $0x0;
	_ =	strace $0x90000047  }
0x8c: {  	s0 =	sadd.s32 @!p0 $0x100000, s2;
	[bflag:$0x2] =	sbarrier.arrive $0xFFFF  }
0x8d: {  	[sflag:s0] =	ssyncadd.tile.s32 @!p0 $0x1;
	_ =	shalt  }
.Lfunc_end2:
_tile_overlayer_lowered:
.L_overlay_start_2:
0x8e: {  	(tag) =	ssettag $0x2  }
0x8f: {  	s0 =	rddreg [dreg:$0x0];
	s2 =	stileid.u32  }
0x90: {  	s1 =	rddreg [dreg:$0x1];
	p0 =	sne.s32 s2, $0x0  }
0x91: {  	s3 =	rddreg [dreg:$0x2];
	[bflag:$0x3] =	sbarrier.arrive $0xFFFF;
	s2 =	simm.s32 @!p0 $0x1C01  }
0x92: {  	[timem:s3], [sflag:s2] =	dma.local @!p0 [hbm:s0], s1  }
0x93: {  	s0 =	simm.s32 @!p0 $0x1  }
0x94: {  	_ =	swait.ge @!p0 [sflag:s0], s1  }
0x95: {  	s1 =	ssub.s32 @!p0 $0x0, s1;
	[sflag:s0] =	ssyncset.done @!p0 $0x0  }
0x96: {  	[sflag:s0] =	ssyncadd.s32 @!p0 s1  }
0x97: {  	[bflag:$0x3] =	sbarrier.arrive $0xFFFF  }
0x98: {  	_ =	shalt  }

</sc_bundles>
